<compile_context>
chip_gen: v7x
topology: tpu7x:2x2x1
jax: 0.10.2.dev20260603
libtpu: 0.0.44.dev20260713+nightly
codegen_flags: <defaults>
</compile_context>

<pallas_src>
import functools

import jax
import jax.numpy as jnp
from jax import lax
from jax.experimental import pallas as pl
from jax.experimental.pallas import tpu as pltpu
from jax.experimental.pallas import tpu_sc as plsc

_SQRT_HALF = 0.7071067811865476

_NC = 2
_NS = 16
_C = 80


def _gelu_exact(x):
    return x * 0.5 * (1.0 + lax.erf(x * _SQRT_HALF))


def _sc_edge_aggregate(h, src, dst):
    n, d = h.shape
    e = src.shape[0]
    nw = _NC * _NS
    per_tile = e // nw
    niter = per_tile // _C
    rows_per_tile = (n // _NS) // 8 * 8
    rows_rem = n - _NS * rows_per_tile
    pack_rows = 8
    npad = _NS * pack_rows
    nvals_max = rows_per_tile + rows_rem

    mesh = plsc.VectorSubcoreMesh(core_axis_name="c", subcore_axis_name="s")

    @functools.partial(
        pl.kernel,
        out_type=jax.ShapeDtypeStruct((_NC * (n + npad), d), jnp.float32),
        mesh=mesh,
        scratch_types=[
            pltpu.VMEM_SHARED((n + npad, d), jnp.float32),
            pltpu.VMEM_SHARED((n,), jnp.float32),
            pltpu.VMEM((_C,), jnp.int32),
            pltpu.VMEM((_C,), jnp.int32),
            pltpu.VMEM((_C, d), jnp.float32),
            pltpu.VMEM((_C,), jnp.float32),
            pltpu.VMEM((nvals_max,), jnp.float32),
            pltpu.VMEM((pack_rows, d), jnp.float32),
            pltpu.SemaphoreType.DMA,
        ],
    )
    def k(h_hbm, src_hbm, dst_hbm, agg_out,
          agg_sp, cnt_sp, src_v, dst_v, rows_v, ones_v, cbuf, pbuf, sem):
        cc = lax.axis_index("c")
        ss = lax.axis_index("s")
        tid = ss * _NC + cc
        tile_base = tid * per_tile
        row0 = ss * rows_per_tile

        def zrow(i, carry):
            for j in range(d // 16):
                rows_v[i, pl.ds(j * 16, 16)] = jnp.zeros((16,), jnp.float32)
            return carry
        lax.fori_loop(0, _C, zrow, 0)
        def zc(i, carry):
            cbuf[pl.ds(i * 16, 16)] = jnp.zeros((16,), jnp.float32)
            return carry
        lax.fori_loop(0, nvals_max // 16, zc, 0)
        def orow(i, carry):
            ones_v[pl.ds(i * 16, 16)] = jnp.ones((16,), jnp.float32)
            return carry
        lax.fori_loop(0, _C // 16, orow, 0)
        off = 0
        while off < rows_per_tile:
            sz = min(_C, rows_per_tile - off)
            pltpu.sync_copy(rows_v.at[pl.ds(0, sz)],
                            agg_sp.at[pl.ds(row0 + off, sz)])
            off += sz
        pltpu.sync_copy(cbuf.at[pl.ds(0, rows_per_tile)],
                        cnt_sp.at[pl.ds(row0, rows_per_tile)])
        if rows_rem:
            @pl.when(ss == _NS - 1)
            def _():
                pltpu.sync_copy(rows_v.at[pl.ds(0, rows_rem)],
                                agg_sp.at[pl.ds(_NS * rows_per_tile, rows_rem)])
                pltpu.sync_copy(cbuf.at[pl.ds(0, rows_rem)],
                                cnt_sp.at[pl.ds(_NS * rows_per_tile, rows_rem)])
        plsc.subcore_barrier()

        def body(i, carry):
            base = tile_base + i * _C
            pltpu.sync_copy(src_hbm.at[pl.ds(base, _C)], src_v)
            pltpu.sync_copy(dst_hbm.at[pl.ds(base, _C)], dst_v)
            pltpu.async_copy(h_hbm.at[src_v], rows_v, sem).wait()
            pltpu.sync_copy(rows_v, agg_sp.at[dst_v], add=True)
            pltpu.sync_copy(ones_v, cnt_sp.at[dst_v], add=True)
            return carry
        lax.fori_loop(0, niter, body, 0)
        plsc.subcore_barrier()

        pltpu.sync_copy(cnt_sp.at[pl.ds(row0, rows_per_tile)],
                        cbuf.at[pl.ds(0, rows_per_tile)])
        if rows_rem:
            @pl.when(ss == _NS - 1)
            def _():
                pltpu.sync_copy(cnt_sp.at[pl.ds(_NS * rows_per_tile, rows_rem)],
                                cbuf.at[pl.ds(rows_per_tile, rows_rem)])
        for kk in range(nvals_max // 16):
            pbuf[kk >> 3, pl.ds((kk & 7) * 16, 16)] = cbuf[pl.ds(kk * 16, 16)]
        pltpu.sync_copy(pbuf, agg_sp.at[pl.ds(n + ss * pack_rows, pack_rows)])

        out0 = cc * (n + npad)
        pltpu.sync_copy(agg_sp.at[pl.ds(row0, rows_per_tile)],
                        agg_out.at[pl.ds(out0 + row0, rows_per_tile)])
        if rows_rem:
            @pl.when(ss == _NS - 1)
            def _():
                base = _NS * rows_per_tile
                pltpu.sync_copy(agg_sp.at[pl.ds(base, rows_rem)],
                                agg_out.at[pl.ds(out0 + base, rows_rem)])
        pltpu.sync_copy(agg_sp.at[pl.ds(n + ss * pack_rows, pack_rows)],
                        agg_out.at[pl.ds(out0 + n + ss * pack_rows, pack_rows)])

    aggf = k(h, src, dst).reshape(_NC, n + npad, d)
    aggp = aggf[:, :n]
    packed = aggf[:, n:].reshape(_NC, _NS, pack_rows * d)
    cnt = jnp.concatenate(
        [packed[:, :_NS - 1, :rows_per_tile].reshape(_NC, -1),
         packed[:, _NS - 1, :rows_per_tile + rows_rem]], axis=1)
    return aggp, cnt[..., None]


def _ln_forward(x, g, b):
    n, d = x.shape
    blk = 1000

    def body(x_ref, g_ref, b_ref, o_ref):
        xv = x_ref[...]
        m = jnp.mean(xv, axis=1, keepdims=True)
        v = jnp.mean((xv - m) ** 2, axis=1, keepdims=True)
        o_ref[...] = (xv - m) * lax.rsqrt(v + 1e-5) * g_ref[...] + b_ref[...]

    return pl.pallas_call(
        body,
        grid=(n // blk,),
        in_specs=[
            pl.BlockSpec((blk, d), lambda i: (i, 0)),
            pl.BlockSpec((1, d), lambda i: (0, 0)),
            pl.BlockSpec((1, d), lambda i: (0, 0)),
        ],
        out_specs=pl.BlockSpec((blk, d), lambda i: (i, 0)),
        out_shape=jax.ShapeDtypeStruct((n, d), jnp.float32),
    )(x, g, b)


def _conv_gate(h, aggp, cntp, batch2, llw, llb, lrw, lng, lnb, gw, gb, ng):
    n, d = h.shape
    blk = 1000
    nblk = n // blk

    def body(batch_ref, h_ref, a0_ref, a1_ref, c0_ref, c1_ref,
             llw_ref, llb_ref, lrw_ref, lng_ref, lnb_ref, gw_ref, gb_ref,
             h3_ref, gate_ref, gmax_ref):
        i = pl.program_id(0)
        cnt = c0_ref[0] + c1_ref[0]
        mean = (a0_ref[0] + a1_ref[0]) / jnp.maximum(cnt, 1.0)
        h2 = (jnp.dot(mean, llw_ref[...], preferred_element_type=jnp.float32)
              + jnp.dot(h_ref[...], lrw_ref[...], preferred_element_type=jnp.float32)
              + llb_ref[...])
        m = jnp.mean(h2, axis=1, keepdims=True)
        v = jnp.mean((h2 - m) ** 2, axis=1, keepdims=True)
        h2n = (h2 - m) * lax.rsqrt(v + 1e-5) * lng_ref[...] + lnb_ref[...]
        h3 = _gelu_exact(h2n)
        h3_ref[...] = h3
        gate = jnp.dot(h3, gw_ref[...], preferred_element_type=jnp.float32) + gb_ref[...]
        gate_ref[...] = gate

        @pl.when(i == 0)
        def _():
            gmax_ref[...] = jnp.full(gmax_ref.shape, -jnp.inf, jnp.float32)
        onehot = batch_ref[...] == lax.broadcasted_iota(jnp.int32, (1, ng), 1)
        masked = jnp.where(onehot, gate, -jnp.inf)
        gmax_ref[...] = jnp.maximum(gmax_ref[...],
                                    jnp.max(masked, axis=0, keepdims=True))

    return pl.pallas_call(
        body,
        grid=(nblk,),
        in_specs=[
            pl.BlockSpec((blk, 1), lambda i: (i, 0)),
            pl.BlockSpec((blk, d), lambda i: (i, 0)),
            pl.BlockSpec((1, blk, d), lambda i: (0, i, 0)),
            pl.BlockSpec((1, blk, d), lambda i: (1, i, 0)),
            pl.BlockSpec((1, blk, 1), lambda i: (0, i, 0)),
            pl.BlockSpec((1, blk, 1), lambda i: (1, i, 0)),
            pl.BlockSpec((d, d), lambda i: (0, 0)),
            pl.BlockSpec((1, d), lambda i: (0, 0)),
            pl.BlockSpec((d, d), lambda i: (0, 0)),
            pl.BlockSpec((1, d), lambda i: (0, 0)),
            pl.BlockSpec((1, d), lambda i: (0, 0)),
            pl.BlockSpec((d, 1), lambda i: (0, 0)),
            pl.BlockSpec((1, 1), lambda i: (0, 0)),
        ],
        out_specs=[
            pl.BlockSpec((blk, d), lambda i: (i, 0)),
            pl.BlockSpec((blk, 1), lambda i: (i, 0)),
            pl.BlockSpec((1, ng), lambda i: (0, 0)),
        ],
        out_shape=[
            jax.ShapeDtypeStruct((n, d), jnp.float32),
            jax.ShapeDtypeStruct((n, 1), jnp.float32),
            jax.ShapeDtypeStruct((1, ng), jnp.float32),
        ],
    )(batch2, h, aggp, aggp, cntp, cntp, llw, llb, lrw, lng, lnb, gw, gb)


def _softmax_accum(batch2, gate, h3, gmax, ng):
    n, d = h3.shape
    blk = 1000
    nblk = n // blk

    def body(batch_ref, gate_ref, h3_ref, gmax_ref, e_ref, sext_ref):
        i = pl.program_id(0)

        @pl.when(i == 0)
        def _():
            sext_ref[...] = jnp.zeros(sext_ref.shape, jnp.float32)
        onehot = batch_ref[...] == lax.broadcasted_iota(jnp.int32, (1, ng), 1)
        gsel = jnp.max(jnp.where(onehot, gmax_ref[...], -jnp.inf),
                       axis=1, keepdims=True)
        ev = jnp.exp(gate_ref[...] - gsel)
        e_ref[...] = ev
        ohf = onehot.astype(jnp.float32)
        ehe = jnp.concatenate([ev * h3_ref[...], ev], axis=1)
        sext_ref[...] += lax.dot_general(
            ohf, ehe, (((0,), (0,)), ((), ())),
            preferred_element_type=jnp.float32)

    return pl.pallas_call(
        body,
        grid=(nblk,),
        in_specs=[
            pl.BlockSpec((blk, 1), lambda i: (i, 0)),
            pl.BlockSpec((blk, 1), lambda i: (i, 0)),
            pl.BlockSpec((blk, d), lambda i: (i, 0)),
            pl.BlockSpec((1, ng), lambda i: (0, 0)),
        ],
        out_specs=[
            pl.BlockSpec((blk, 1), lambda i: (i, 0)),
            pl.BlockSpec((ng, d + 1), lambda i: (0, 0)),
        ],
        out_shape=[
            jax.ShapeDtypeStruct((n, 1), jnp.float32),
            jax.ShapeDtypeStruct((ng, d + 1), jnp.float32),
        ],
    )(batch2, gate, h3, gmax)


def _head_attn(e, batch2, sext, text, feats, mw, mb, fw, fb, mg, mbb,
               f1w, f1b, gwt, ng):
    n = e.shape[0]
    d = sext.shape[1] - 1
    dt = text.shape[1]
    df = feats.shape[1]
    blk = 1000
    nblk = n // blk

    def body(batch_ref, e_ref, sext_ref, text_ref, feats_ref,
             mw_ref, mb_ref, fw_ref, fb_ref, mg_ref, mbb_ref,
             f1w_ref, f1b_ref, gwt_ref,
             logits_ref, gemb_ref, attn_ref):
        i = pl.program_id(0)
        den = sext_ref[...][:, d:d + 1]
        rec = 1.0 / (den + 1e-16)

        @pl.when(i == 0)
        def _():
            ge = sext_ref[...][:, :d] * rec
            gemb_ref[...] = ge
            wg = gwt_ref[0, 0] * ge
            msg = _gelu_exact(
                jnp.dot(text_ref[...], mw_ref[...],
                        preferred_element_type=jnp.float32) + mb_ref[...])
            ft = _gelu_exact(
                jnp.dot(feats_ref[...], fw_ref[...],
                        preferred_element_type=jnp.float32) + fb_ref[...])
            emb = jnp.concatenate([wg, msg, ft], axis=1)
            m = jnp.mean(emb, axis=1, keepdims=True)
            v = jnp.mean((emb - m) ** 2, axis=1, keepdims=True)
            embn = (emb - m) * lax.rsqrt(v + 1e-5) * mg_ref[...] + mbb_ref[...]
            logits_ref[...] = jnp.dot(
                embn, f1w_ref[...], preferred_element_type=jnp.float32) + f1b_ref[...]

        ohf = (batch_ref[...] ==
               lax.broadcasted_iota(jnp.int32, (1, ng), 1)).astype(jnp.float32)
        attn_ref[...] = e_ref[...] * jnp.dot(
            ohf, rec, preferred_element_type=jnp.float32)

    return pl.pallas_call(
        body,
        grid=(nblk,),
        in_specs=[
            pl.BlockSpec((blk, 1), lambda i: (i, 0)),
            pl.BlockSpec((blk, 1), lambda i: (i, 0)),
            pl.BlockSpec((ng, d + 1), lambda i: (0, 0)),
            pl.BlockSpec((ng, dt), lambda i: (0, 0)),
            pl.BlockSpec((ng, df), lambda i: (0, 0)),
            pl.BlockSpec((dt, d), lambda i: (0, 0)),
            pl.BlockSpec((1, d), lambda i: (0, 0)),
            pl.BlockSpec((df, d), lambda i: (0, 0)),
            pl.BlockSpec((1, d), lambda i: (0, 0)),
            pl.BlockSpec((1, 3 * d), lambda i: (0, 0)),
            pl.BlockSpec((1, 3 * d), lambda i: (0, 0)),
            pl.BlockSpec((3 * d, 1), lambda i: (0, 0)),
            pl.BlockSpec((1, 1), lambda i: (0, 0)),
            pl.BlockSpec((1, 1), lambda i: (0, 0)),
        ],
        out_specs=[
            pl.BlockSpec((ng, 1), lambda i: (0, 0)),
            pl.BlockSpec((ng, d), lambda i: (0, 0)),
            pl.BlockSpec((blk, 1), lambda i: (i, 0)),
        ],
        out_shape=[
            jax.ShapeDtypeStruct((ng, 1), jnp.float32),
            jax.ShapeDtypeStruct((ng, d), jnp.float32),
            jax.ShapeDtypeStruct((n, 1), jnp.float32),
        ],
    )(batch2, e, sext, text, feats, mw, mb, fw, fb, mg, mbb, f1w, f1b, gwt)


def kernel(x_dict, edge_index, batch, batch_size, text_embedding,
           features_embedding, pn_g, pn_b, lin_l_w, lin_l_b, lin_r_w,
           ln_g, ln_b, gate_w, gate_b, graph_weight, msg_w, msg_b,
           feat_w, feat_b, mix_g, mix_b, fc1_w, fc1_b):
    n, d = x_dict.shape
    ng = text_embedding.shape[0]

    h = _ln_forward(x_dict, pn_g.reshape(1, d), pn_b.reshape(1, d))

    src = edge_index[0]
    dst = edge_index[1]
    aggp, cntp = _sc_edge_aggregate(h, src, dst)

    batch2 = batch.reshape(n, 1)
    h3, gate, gmax = _conv_gate(
        h, aggp, cntp, batch2, lin_l_w, lin_l_b.reshape(1, d), lin_r_w,
        ln_g.reshape(1, d), ln_b.reshape(1, d), gate_w,
        gate_b.reshape(1, 1), ng)

    e, sext = _softmax_accum(batch2, gate, h3, gmax, ng)

    logits, graph_emb, attn = _head_attn(
        e, batch2, sext, text_embedding, features_embedding,
        msg_w, msg_b.reshape(1, d), feat_w, feat_b.reshape(1, d),
        mix_g.reshape(1, 3 * d), mix_b.reshape(1, 3 * d), fc1_w,
        fc1_b.reshape(1, 1), jnp.reshape(graph_weight, (1, 1)), ng)

    return logits, graph_emb, attn

# --- scband reference (transcript-rebuilt; emitter-appended) ---
"""Pipeline reference for scband-homogeneous-graph-sequential-classifier-v2-38860864094250 (READ-ONLY COPY).

The authoritative reference and input builder live on the scoring server;
editing this copy changes nothing except your own understanding.
"""

import jax, jax.numpy as jnp
import numpy as np

N_NODES = 10000
N_EDGES = 320000
D_IN = 128
D_OUT = 128
NGRAPHS = 256

def _ln(x, g, b, eps=1e-5):
    m = jnp.mean(x, axis=-1, keepdims=True)
    v = jnp.mean((x - m) ** 2, axis=-1, keepdims=True)
    return (x - m) / jnp.sqrt(v + eps) * g + b

def _gelu(x):
    return jax.nn.gelu(x, approximate=False)

def _lin_init(k, fi, fo):
    lim = 1.0 / np.sqrt(fi)
    return jax.random.uniform(k, (fi, fo), jnp.float32, -lim, lim)

def setup_inputs(seed: int = 0):
    key = jax.random.key(seed)
    ks = jax.random.split(key, 16)
    inp = {}
    inp["x_dict"] = jax.random.normal(ks[0], (N_NODES, D_IN), jnp.float32)
    inp["edge_index"] = jax.random.randint(ks[1], (2, N_EDGES), 0, N_NODES)
    inp["batch"] = jnp.sort(jax.random.randint(ks[2], (N_NODES,), 0, NGRAPHS))
    inp["batch_size"] = NGRAPHS
    inp["text_embedding"] = jax.random.normal(ks[3], (NGRAPHS, 768), jnp.float32)
    inp["features_embedding"] = jax.random.normal(ks[4], (NGRAPHS, 14), jnp.float32)
    # learned parameters
    inp["pn_g"] = jnp.ones((D_IN,), jnp.float32)
    inp["pn_b"] = jnp.zeros((D_IN,), jnp.float32)
    inp["lin_l_w"] = _lin_init(ks[5], D_IN, D_OUT)
    inp["lin_l_b"] = jnp.zeros((D_OUT,), jnp.float32)
    inp["lin_r_w"] = _lin_init(ks[6], D_IN, D_OUT)
    inp["ln_g"] = jnp.ones((D_OUT,), jnp.float32)
    inp["ln_b"] = jnp.zeros((D_OUT,), jnp.float32)
    inp["gate_w"] = _lin_init(ks[7], D_OUT, 1)
    inp["gate_b"] = jnp.zeros((1,), jnp.float32)
    inp["graph_weight"] = jnp.array(1.0, jnp.float32)
    inp["msg_w"] = _lin_init(ks[8], 768, D_OUT)
    inp["msg_b"] = jnp.zeros((D_OUT,), jnp.float32)
    inp["feat_w"] = _lin_init(ks[9], 14, D_OUT)
    inp["feat_b"] = jnp.zeros((D_OUT,), jnp.float32)
    inp["mix_g"] = jnp.ones((3 * D_OUT,), jnp.float32)
    inp["mix_b"] = jnp.zeros((3 * D_OUT,), jnp.float32)
    inp["fc1_w"] = _lin_init(ks[10], 3 * D_OUT, 1)
    inp["fc1_b"] = jnp.zeros((1,), jnp.float32)
    return inp

def reference(x_dict, edge_index, batch, batch_size, text_embedding, features_embedding,
              pn_g, pn_b, lin_l_w, lin_l_b, lin_r_w, ln_g, ln_b, gate_w, gate_b,
              graph_weight, msg_w, msg_b, feat_w, feat_b, mix_g, mix_b, fc1_w, fc1_b):
    num_graphs = text_embedding.shape[0]
    batch = batch + 0 * jnp.asarray(batch_size, batch.dtype)
    # project_norm (LayerNorm over in_channels)
    h = _ln(x_dict, pn_g, pn_b)
    # GraphSAGE (1 layer SAGEConv, mean aggregation, root weight, no activation inside)
    src = edge_index[0]
    dst = edge_index[1]
    msgs = jnp.take(h, src, axis=0)
    agg = jax.ops.segment_sum(msgs, dst, num_segments=h.shape[0])
    cnt = jax.ops.segment_sum(jnp.ones((msgs.shape[0],), jnp.float32), dst, num_segments=h.shape[0])
    mean = agg / jnp.maximum(cnt, 1.0)[:, None]
    h = mean @ lin_l_w + lin_l_b + h @ lin_r_w
    # layernorm + gelu (HomogeneousGraphConvolution)
    h = _ln(h, ln_g, ln_b)
    h = _gelu(h)
    # AttentionalAggregation: segment softmax over gate scores, weighted segment sum
    gate = h @ gate_w + gate_b
    gmax = jax.ops.segment_max(gate, batch, num_segments=num_graphs)
    e = jnp.exp(gate - jnp.take(gmax, batch, axis=0))
    denom = jax.ops.segment_sum(e, batch, num_segments=num_graphs)
    attn = e / (jnp.take(denom, batch, axis=0) + 1e-16)
    graph_emb = jax.ops.segment_sum(attn * h, batch, num_segments=num_graphs)
    # dropout is identity in eval mode
    weighted_graph = graph_weight * graph_emb
    msg_emb = _gelu(text_embedding @ msg_w + msg_b)
    feat_emb = _gelu(features_embedding @ feat_w + feat_b)
    emb = jnp.concatenate([weighted_graph, msg_emb, feat_emb], axis=1)
    emb = _ln(emb, mix_g, mix_b)
    logits = emb @ fc1_w + fc1_b
    return logits, graph_emb, attn

if __name__ == "__main__":
    import jax
    _d = setup_inputs()
    print(jax.jit(kernel)(*tuple(_d.values())))

</pallas_src>

<mosaic_0001>
#map = affine_map<(d0, d1) -> (0, 0)>
#map1 = affine_map<(d0, d1) -> (0)>
module attributes {stable_mosaic.version = 14 : i64} {
  func.func @k(%arg0: i32, %arg1: i32, %arg2: memref<10000x128xf32, #tpu.memory_space<hbm>>, %arg3: memref<320000xi32, #tpu.memory_space<hbm>>, %arg4: memref<320000xi32, #tpu.memory_space<hbm>>, %arg5: memref<20256x128xf32, #tpu.memory_space<hbm>>, %arg6: memref<10128x128xf32, #tpu.memory_space<vmem_shared>>, %arg7: memref<10000xf32, #tpu.memory_space<vmem_shared>>, %arg8: memref<80xi32, #tpu.memory_space<vmem>>, %arg9: memref<80xi32, #tpu.memory_space<vmem>>, %arg10: memref<80x128xf32, #tpu.memory_space<vmem>>, %arg11: memref<80xf32, #tpu.memory_space<vmem>>, %arg12: memref<640xf32, #tpu.memory_space<vmem>>, %arg13: memref<8x128xf32, #tpu.memory_space<vmem>>, %arg14: memref<!tpu.dma_semaphore, #tpu.memory_space<semaphore_mem>>) attributes {dimension_semantics = [#tpu.dimension_semantics<core_parallel>, #tpu.dimension_semantics<subcore_parallel>], iteration_bounds = array<i64: 2, 16>, scalar_prefetch = 0 : i64, scratch_operands = 9 : i64, tpu.core_type = #tpu.core_type<sc_vector_subcore>, window_params = [{transform_indices = #map}, {transform_indices = #map1}, {transform_indices = #map1}, {transform_indices = #map}]} {
    %mul3A = arith.constant 2 : i32
    %mul3A_0 = arith.muli %arg1, %mul3A : i32
    %add3A = arith.addi %mul3A_0, %arg0 : i32
    %mul3A_1 = arith.constant 10000 : i32
    %mul3A_2 = arith.muli %add3A, %mul3A_1 : i32
    %mul3A_3 = arith.constant 624 : i32
    %mul3A_4 = arith.muli %arg1, %mul3A_3 : i32
    %scan3A = arith.constant 0 : i32
    %scan3A_5 = arith.constant 0 : i32
    %scan3A_6 = arith.constant 80 : i32
    %scan3A_7 = arith.addi %scan3A_5, %scan3A_6 : i32
    %scan3A_8 = arith.constant 1 : i32
    scf.for %scan3A_431 = %scan3A_5 to %scan3A_7 step %scan3A_8  : i32 {
      %broadcast_in_dim3A = arith.constant 0.000000e+00 : f32
      %broadcast_in_dim3A_432 = vector.broadcast %broadcast_in_dim3A : f32 to vector<16xf32>
      %swap3A_433 = arith.index_cast %scan3A_431 : i32 to index
      %swap3A_434 = arith.constant 0 : index
      %swap3A_435 = tpu.vector_load %arg10[%swap3A_433, %swap3A_434] {strides = array<i32>} : memref<80x128xf32, #tpu.memory_space<vmem>>, vector<1x16xf32>,
      %swap3A_436 = vector.shape_cast %swap3A_435 : vector<1x16xf32> to vector<16xf32>
      %swap3A_437 = vector.shape_cast %broadcast_in_dim3A_432 : vector<16xf32> to vector<1x16xf32>
      tpu.vector_store %arg10[%swap3A_433, %swap3A_434], %swap3A_437 {strides = array<i32>} : memref<80x128xf32, #tpu.memory_space<vmem>>, vector<1x16xf32>,
      %broadcast_in_dim3A_438 = arith.constant 0.000000e+00 : f32
      %broadcast_in_dim3A_439 = vector.broadcast %broadcast_in_dim3A_438 : f32 to vector<16xf32>
      %swap3A_440 = arith.index_cast %scan3A_431 : i32 to index
      %swap3A_441 = arith.constant 16 : index
      %swap3A_442 = tpu.vector_load %arg10[%swap3A_440, %swap3A_441] {strides = array<i32>} : memref<80x128xf32, #tpu.memory_space<vmem>>, vector<1x16xf32>,
      %swap3A_443 = vector.shape_cast %swap3A_442 : vector<1x16xf32> to vector<16xf32>
      %swap3A_444 = vector.shape_cast %broadcast_in_dim3A_439 : vector<16xf32> to vector<1x16xf32>
      tpu.vector_store %arg10[%swap3A_440, %swap3A_441], %swap3A_444 {strides = array<i32>} : memref<80x128xf32, #tpu.memory_space<vmem>>, vector<1x16xf32>,
      %broadcast_in_dim3A_445 = arith.constant 0.000000e+00 : f32
      %broadcast_in_dim3A_446 = vector.broadcast %broadcast_in_dim3A_445 : f32 to vector<16xf32>
      %swap3A_447 = arith.index_cast %scan3A_431 : i32 to index
      %swap3A_448 = arith.constant 32 : index
      %swap3A_449 = tpu.vector_load %arg10[%swap3A_447, %swap3A_448] {strides = array<i32>} : memref<80x128xf32, #tpu.memory_space<vmem>>, vector<1x16xf32>,
      %swap3A_450 = vector.shape_cast %swap3A_449 : vector<1x16xf32> to vector<16xf32>
      %swap3A_451 = vector.shape_cast %broadcast_in_dim3A_446 : vector<16xf32> to vector<1x16xf32>
      tpu.vector_store %arg10[%swap3A_447, %swap3A_448], %swap3A_451 {strides = array<i32>} : memref<80x128xf32, #tpu.memory_space<vmem>>, vector<1x16xf32>,
      %broadcast_in_dim3A_452 = arith.constant 0.000000e+00 : f32
      %broadcast_in_dim3A_453 = vector.broadcast %broadcast_in_dim3A_452 : f32 to vector<16xf32>
      %swap3A_454 = arith.index_cast %scan3A_431 : i32 to index
      %swap3A_455 = arith.constant 48 : index
      %swap3A_456 = tpu.vector_load %arg10[%swap3A_454, %swap3A_455] {strides = array<i32>} : memref<80x128xf32, #tpu.memory_space<vmem>>, vector<1x16xf32>,
      %swap3A_457 = vector.shape_cast %swap3A_456 : vector<1x16xf32> to vector<16xf32>
      %swap3A_458 = vector.shape_cast %broadcast_in_dim3A_453 : vector<16xf32> to vector<1x16xf32>
      tpu.vector_store %arg10[%swap3A_454, %swap3A_455], %swap3A_458 {strides = array<i32>} : memref<80x128xf32, #tpu.memory_space<vmem>>, vector<1x16xf32>,
      %broadcast_in_dim3A_459 = arith.constant 0.000000e+00 : f32
      %broadcast_in_dim3A_460 = vector.broadcast %broadcast_in_dim3A_459 : f32 to vector<16xf32>
      %swap3A_461 = arith.index_cast %scan3A_431 : i32 to index
      %swap3A_462 = arith.constant 64 : index
      %swap3A_463 = tpu.vector_load %arg10[%swap3A_461, %swap3A_462] {strides = array<i32>} : memref<80x128xf32, #tpu.memory_space<vmem>>, vector<1x16xf32>,
      %swap3A_464 = vector.shape_cast %swap3A_463 : vector<1x16xf32> to vector<16xf32>
      %swap3A_465 = vector.shape_cast %broadcast_in_dim3A_460 : vector<16xf32> to vector<1x16xf32>
      tpu.vector_store %arg10[%swap3A_461, %swap3A_462], %swap3A_465 {strides = array<i32>} : memref<80x128xf32, #tpu.memory_space<vmem>>, vector<1x16xf32>,
      %broadcast_in_dim3A_466 = arith.constant 0.000000e+00 : f32
      %broadcast_in_dim3A_467 = vector.broadcast %broadcast_in_dim3A_466 : f32 to vector<16xf32>
      %swap3A_468 = arith.index_cast %scan3A_431 : i32 to index
      %swap3A_469 = arith.constant 80 : index
      %swap3A_470 = tpu.vector_load %arg10[%swap3A_468, %swap3A_469] {strides = array<i32>} : memref<80x128xf32, #tpu.memory_space<vmem>>, vector<1x16xf32>,
      %swap3A_471 = vector.shape_cast %swap3A_470 : vector<1x16xf32> to vector<16xf32>
      %swap3A_472 = vector.shape_cast %broadcast_in_dim3A_467 : vector<16xf32> to vector<1x16xf32>
      tpu.vector_store %arg10[%swap3A_468, %swap3A_469], %swap3A_472 {strides = array<i32>} : memref<80x128xf32, #tpu.memory_space<vmem>>, vector<1x16xf32>,
      %broadcast_in_dim3A_473 = arith.constant 0.000000e+00 : f32
      %broadcast_in_dim3A_474 = vector.broadcast %broadcast_in_dim3A_473 : f32 to vector<16xf32>
      %swap3A_475 = arith.index_cast %scan3A_431 : i32 to index
      %swap3A_476 = arith.constant 96 : index
      %swap3A_477 = tpu.vector_load %arg10[%swap3A_475, %swap3A_476] {strides = array<i32>} : memref<80x128xf32, #tpu.memory_space<vmem>>, vector<1x16xf32>,
      %swap3A_478 = vector.shape_cast %swap3A_477 : vector<1x16xf32> to vector<16xf32>
      %swap3A_479 = vector.shape_cast %broadcast_in_dim3A_474 : vector<16xf32> to vector<1x16xf32>
      tpu.vector_store %arg10[%swap3A_475, %swap3A_476], %swap3A_479 {strides = array<i32>} : memref<80x128xf32, #tpu.memory_space<vmem>>, vector<1x16xf32>,
      %broadcast_in_dim3A_480 = arith.constant 0.000000e+00 : f32
      %broadcast_in_dim3A_481 = vector.broadcast %broadcast_in_dim3A_480 : f32 to vector<16xf32>
      %swap3A_482 = arith.index_cast %scan3A_431 : i32 to index
      %swap3A_483 = arith.constant 112 : index
      %swap3A_484 = tpu.vector_load %arg10[%swap3A_482, %swap3A_483] {strides = array<i32>} : memref<80x128xf32, #tpu.memory_space<vmem>>, vector<1x16xf32>,
      %swap3A_485 = vector.shape_cast %swap3A_484 : vector<1x16xf32> to vector<16xf32>
      %swap3A_486 = vector.shape_cast %broadcast_in_dim3A_481 : vector<16xf32> to vector<1x16xf32>
      tpu.vector_store %arg10[%swap3A_482, %swap3A_483], %swap3A_486 {strides = array<i32>} : memref<80x128xf32, #tpu.memory_space<vmem>>, vector<1x16xf32>,
    }
    %scan3A_9 = arith.constant 80 : i32
    %scan3A_10 = arith.constant 0 : i32
    %scan3A_11 = arith.constant 0 : i32
    %scan3A_12 = arith.constant 40 : i32
    %scan3A_13 = arith.addi %scan3A_11, %scan3A_12 : i32
    %scan3A_14 = arith.constant 1 : i32
    scf.for %scan3A_431 = %scan3A_11 to %scan3A_13 step %scan3A_14  : i32 {
      %broadcast_in_dim3A = arith.constant 0.000000e+00 : f32
      %broadcast_in_dim3A_432 = vector.broadcast %broadcast_in_dim3A : f32 to vector<16xf32>
      %mul3A_433 = arith.constant 16 : i32
      %mul3A_434 = arith.muli %scan3A_431, %mul3A_433 : i32
      %swap3A_435 = arith.index_cast %mul3A_434 : i32 to index
      %swap3A_436 = tpu.vector_load %arg12[%swap3A_435] {strides = array<i32>} : memref<640xf32, #tpu.memory_space<vmem>>, vector<16xf32>,
      %swap3A_437 = vector.shape_cast %swap3A_436 : vector<16xf32> to vector<16xf32>
      %swap3A_438 = vector.shape_cast %broadcast_in_dim3A_432 : vector<16xf32> to vector<16xf32>
      tpu.vector_store %arg12[%swap3A_435], %swap3A_438 {strides = array<i32>} : memref<640xf32, #tpu.memory_space<vmem>>, vector<16xf32>,
    }
    %scan3A_15 = arith.constant 40 : i32
    %scan3A_16 = arith.constant 0 : i32
    %scan3A_17 = arith.constant 0 : i32
    %scan3A_18 = arith.constant 5 : i32
    %scan3A_19 = arith.addi %scan3A_17, %scan3A_18 : i32
    %scan3A_20 = arith.constant 1 : i32
    scf.for %scan3A_431 = %scan3A_17 to %scan3A_19 step %scan3A_20  : i32 {
      %broadcast_in_dim3A = arith.constant 1.000000e+00 : f32
      %broadcast_in_dim3A_432 = vector.broadcast %broadcast_in_dim3A : f32 to vector<16xf32>
      %mul3A_433 = arith.constant 16 : i32
      %mul3A_434 = arith.muli %scan3A_431, %mul3A_433 : i32
      %swap3A_435 = arith.index_cast %mul3A_434 : i32 to index
      %swap3A_436 = tpu.vector_load %arg11[%swap3A_435] {strides = array<i32>} : memref<80xf32, #tpu.memory_space<vmem>>, vector<16xf32>,
      %swap3A_437 = vector.shape_cast %swap3A_436 : vector<16xf32> to vector<16xf32>
      %swap3A_438 = vector.shape_cast %broadcast_in_dim3A_432 : vector<16xf32> to vector<16xf32>
      tpu.vector_store %arg11[%swap3A_435], %swap3A_438 {strides = array<i32>} : memref<80xf32, #tpu.memory_space<vmem>>, vector<16xf32>,
    }
    %scan3A_21 = arith.constant 5 : i32
    %add3A_22 = arith.constant 0 : i32
    %add3A_23 = arith.addi %mul3A_4, %add3A_22 : i32
    "tpu.region"() ({
      %run_scoped3A = tpu.sem_alloc : memref<!tpu.dma_semaphore, #tpu.memory_space<semaphore_mem>>
      %dma_start3A = arith.constant 0 : i32
      %dma_start3A_431 = arith.constant 0 : i32
      %dma_start3A_432 = tpu.memref_slice %arg10[%dma_start3A, %dma_start3A_431] : memref<80x128xf32, #tpu.memory_space<vmem>> -> memref<80x128xf32, #tpu.memory_space<vmem>>
      %dma_start3A_433 = arith.constant 0 : i32
      %dma_start3A_434 = tpu.memref_slice %arg6[%add3A_23, %dma_start3A_433] : memref<10128x128xf32, #tpu.memory_space<vmem_shared>> -> memref<80x128xf32, #tpu.memory_space<vmem_shared>>
      %dma_start3A_435 = arith.constant 0 : i32
      %dma_start3A_436 = tpu.memref_slice %arg6[%add3A_23, %dma_start3A_435] : memref<10128x128xf32, #tpu.memory_space<vmem_shared>> -> memref<80x128xf32, #tpu.memory_space<vmem_shared>>
      %dma_start3A_437 = arith.constant 0 : i32
      %dma_start3A_438 = arith.constant 0 : i32
      %dma_start3A_439 = tpu.memref_slice %arg10[%dma_start3A_437, %dma_start3A_438] : memref<80x128xf32, #tpu.memory_space<vmem>> -> memref<80x128xf32, #tpu.memory_space<vmem>>
      tpu.enqueue_dma source(%dma_start3A_439 : memref<80x128xf32, #tpu.memory_space<vmem>>) target(%dma_start3A_436 : memref<80x128xf32, #tpu.memory_space<vmem_shared>>) target_semaphore(%run_scoped3A : memref<!tpu.dma_semaphore, #tpu.memory_space<semaphore_mem>>)
      %dma_wait3A = arith.constant 0 : i32
      %dma_wait3A_440 = arith.constant 0 : i32
      %dma_wait3A_441 = tpu.memref_slice %arg10[%dma_wait3A, %dma_wait3A_440] : memref<80x128xf32, #tpu.memory_space<vmem>> -> memref<80x128xf32, #tpu.memory_space<vmem>>
      %dma_wait3A_442 = arith.constant 0 : i32
      %dma_wait3A_443 = tpu.memref_slice %arg6[%add3A_23, %dma_wait3A_442] : memref<10128x128xf32, #tpu.memory_space<vmem_shared>> -> memref<80x128xf32, #tpu.memory_space<vmem_shared>>
      %dma_wait3A_444 = arith.constant 0 : i32
      %dma_wait3A_445 = tpu.memref_slice %arg6[%add3A_23, %dma_wait3A_444] : memref<10128x128xf32, #tpu.memory_space<vmem_shared>> -> memref<80x128xf32, #tpu.memory_space<vmem_shared>>
      %dma_wait3A_446 = arith.constant 0 : i32
      %dma_wait3A_447 = arith.constant 0 : i32
      %dma_wait3A_448 = tpu.memref_slice %arg10[%dma_wait3A_446, %dma_wait3A_447] : memref<80x128xf32, #tpu.memory_space<vmem>> -> memref<80x128xf32, #tpu.memory_space<vmem>>
      tpu.wait_dma2 semaphore(%run_scoped3A : memref<!tpu.dma_semaphore, #tpu.memory_space<semaphore_mem>>) src(%dma_wait3A_448 : memref<80x128xf32, #tpu.memory_space<vmem>>) dst(%dma_wait3A_445 : memref<80x128xf32, #tpu.memory_space<vmem_shared>>)
      tpu.yield
    }) : () -> ()
    %add3A_24 = arith.constant 80 : i32
    %add3A_25 = arith.addi %mul3A_4, %add3A_24 : i32
    "tpu.region"() ({
      %run_scoped3A = tpu.sem_alloc : memref<!tpu.dma_semaphore, #tpu.memory_space<semaphore_mem>>
      %dma_start3A = arith.constant 0 : i32
      %dma_start3A_431 = arith.constant 0 : i32
      %dma_start3A_432 = tpu.memref_slice %arg10[%dma_start3A, %dma_start3A_431] : memref<80x128xf32, #tpu.memory_space<vmem>> -> memref<80x128xf32, #tpu.memory_space<vmem>>
      %dma_start3A_433 = arith.constant 0 : i32
      %dma_start3A_434 = tpu.memref_slice %arg6[%add3A_25, %dma_start3A_433] : memref<10128x128xf32, #tpu.memory_space<vmem_shared>> -> memref<80x128xf32, #tpu.memory_space<vmem_shared>>
      %dma_start3A_435 = arith.constant 0 : i32
      %dma_start3A_436 = tpu.memref_slice %arg6[%add3A_25, %dma_start3A_435] : memref<10128x128xf32, #tpu.memory_space<vmem_shared>> -> memref<80x128xf32, #tpu.memory_space<vmem_shared>>
      %dma_start3A_437 = arith.constant 0 : i32
      %dma_start3A_438 = arith.constant 0 : i32
      %dma_start3A_439 = tpu.memref_slice %arg10[%dma_start3A_437, %dma_start3A_438] : memref<80x128xf32, #tpu.memory_space<vmem>> -> memref<80x128xf32, #tpu.memory_space<vmem>>
      tpu.enqueue_dma source(%dma_start3A_439 : memref<80x128xf32, #tpu.memory_space<vmem>>) target(%dma_start3A_436 : memref<80x128xf32, #tpu.memory_space<vmem_shared>>) target_semaphore(%run_scoped3A : memref<!tpu.dma_semaphore, #tpu.memory_space<semaphore_mem>>)
      %dma_wait3A = arith.constant 0 : i32
      %dma_wait3A_440 = arith.constant 0 : i32
      %dma_wait3A_441 = tpu.memref_slice %arg10[%dma_wait3A, %dma_wait3A_440] : memref<80x128xf32, #tpu.memory_space<vmem>> -> memref<80x128xf32, #tpu.memory_space<vmem>>
      %dma_wait3A_442 = arith.constant 0 : i32
      %dma_wait3A_443 = tpu.memref_slice %arg6[%add3A_25, %dma_wait3A_442] : memref<10128x128xf32, #tpu.memory_space<vmem_shared>> -> memref<80x128xf32, #tpu.memory_space<vmem_shared>>
      %dma_wait3A_444 = arith.constant 0 : i32
      %dma_wait3A_445 = tpu.memref_slice %arg6[%add3A_25, %dma_wait3A_444] : memref<10128x128xf32, #tpu.memory_space<vmem_shared>> -> memref<80x128xf32, #tpu.memory_space<vmem_shared>>
      %dma_wait3A_446 = arith.constant 0 : i32
      %dma_wait3A_447 = arith.constant 0 : i32
      %dma_wait3A_448 = tpu.memref_slice %arg10[%dma_wait3A_446, %dma_wait3A_447] : memref<80x128xf32, #tpu.memory_space<vmem>> -> memref<80x128xf32, #tpu.memory_space<vmem>>
      tpu.wait_dma2 semaphore(%run_scoped3A : memref<!tpu.dma_semaphore, #tpu.memory_space<semaphore_mem>>) src(%dma_wait3A_448 : memref<80x128xf32, #tpu.memory_space<vmem>>) dst(%dma_wait3A_445 : memref<80x128xf32, #tpu.memory_space<vmem_shared>>)
      tpu.yield
    }) : () -> ()
    %add3A_26 = arith.constant 160 : i32
    %add3A_27 = arith.addi %mul3A_4, %add3A_26 : i32
    "tpu.region"() ({
      %run_scoped3A = tpu.sem_alloc : memref<!tpu.dma_semaphore, #tpu.memory_space<semaphore_mem>>
      %dma_start3A = arith.constant 0 : i32
      %dma_start3A_431 = arith.constant 0 : i32
      %dma_start3A_432 = tpu.memref_slice %arg10[%dma_start3A, %dma_start3A_431] : memref<80x128xf32, #tpu.memory_space<vmem>> -> memref<80x128xf32, #tpu.memory_space<vmem>>
      %dma_start3A_433 = arith.constant 0 : i32
      %dma_start3A_434 = tpu.memref_slice %arg6[%add3A_27, %dma_start3A_433] : memref<10128x128xf32, #tpu.memory_space<vmem_shared>> -> memref<80x128xf32, #tpu.memory_space<vmem_shared>>
      %dma_start3A_435 = arith.constant 0 : i32
      %dma_start3A_436 = tpu.memref_slice %arg6[%add3A_27, %dma_start3A_435] : memref<10128x128xf32, #tpu.memory_space<vmem_shared>> -> memref<80x128xf32, #tpu.memory_space<vmem_shared>>
      %dma_start3A_437 = arith.constant 0 : i32
      %dma_start3A_438 = arith.constant 0 : i32
      %dma_start3A_439 = tpu.memref_slice %arg10[%dma_start3A_437, %dma_start3A_438] : memref<80x128xf32, #tpu.memory_space<vmem>> -> memref<80x128xf32, #tpu.memory_space<vmem>>
      tpu.enqueue_dma source(%dma_start3A_439 : memref<80x128xf32, #tpu.memory_space<vmem>>) target(%dma_start3A_436 : memref<80x128xf32, #tpu.memory_space<vmem_shared>>) target_semaphore(%run_scoped3A : memref<!tpu.dma_semaphore, #tpu.memory_space<semaphore_mem>>)
      %dma_wait3A = arith.constant 0 : i32
      %dma_wait3A_440 = arith.constant 0 : i32
      %dma_wait3A_441 = tpu.memref_slice %arg10[%dma_wait3A, %dma_wait3A_440] : memref<80x128xf32, #tpu.memory_space<vmem>> -> memref<80x128xf32, #tpu.memory_space<vmem>>
      %dma_wait3A_442 = arith.constant 0 : i32
      %dma_wait3A_443 = tpu.memref_slice %arg6[%add3A_27, %dma_wait3A_442] : memref<10128x128xf32, #tpu.memory_space<vmem_shared>> -> memref<80x128xf32, #tpu.memory_space<vmem_shared>>
      %dma_wait3A_444 = arith.constant 0 : i32
      %dma_wait3A_445 = tpu.memref_slice %arg6[%add3A_27, %dma_wait3A_444] : memref<10128x128xf32, #tpu.memory_space<vmem_shared>> -> memref<80x128xf32, #tpu.memory_space<vmem_shared>>
      %dma_wait3A_446 = arith.constant 0 : i32
      %dma_wait3A_447 = arith.constant 0 : i32
      %dma_wait3A_448 = tpu.memref_slice %arg10[%dma_wait3A_446, %dma_wait3A_447] : memref<80x128xf32, #tpu.memory_space<vmem>> -> memref<80x128xf32, #tpu.memory_space<vmem>>
      tpu.wait_dma2 semaphore(%run_scoped3A : memref<!tpu.dma_semaphore, #tpu.memory_space<semaphore_mem>>) src(%dma_wait3A_448 : memref<80x128xf32, #tpu.memory_space<vmem>>) dst(%dma_wait3A_445 : memref<80x128xf32, #tpu.memory_space<vmem_shared>>)
      tpu.yield
    }) : () -> ()
    %add3A_28 = arith.constant 240 : i32
    %add3A_29 = arith.addi %mul3A_4, %add3A_28 : i32
    "tpu.region"() ({
      %run_scoped3A = tpu.sem_alloc : memref<!tpu.dma_semaphore, #tpu.memory_space<semaphore_mem>>
      %dma_start3A = arith.constant 0 : i32
      %dma_start3A_431 = arith.constant 0 : i32
      %dma_start3A_432 = tpu.memref_slice %arg10[%dma_start3A, %dma_start3A_431] : memref<80x128xf32, #tpu.memory_space<vmem>> -> memref<80x128xf32, #tpu.memory_space<vmem>>
      %dma_start3A_433 = arith.constant 0 : i32
      %dma_start3A_434 = tpu.memref_slice %arg6[%add3A_29, %dma_start3A_433] : memref<10128x128xf32, #tpu.memory_space<vmem_shared>> -> memref<80x128xf32, #tpu.memory_space<vmem_shared>>
      %dma_start3A_435 = arith.constant 0 : i32
      %dma_start3A_436 = tpu.memref_slice %arg6[%add3A_29, %dma_start3A_435] : memref<10128x128xf32, #tpu.memory_space<vmem_shared>> -> memref<80x128xf32, #tpu.memory_space<vmem_shared>>
      %dma_start3A_437 = arith.constant 0 : i32
      %dma_start3A_438 = arith.constant 0 : i32
      %dma_start3A_439 = tpu.memref_slice %arg10[%dma_start3A_437, %dma_start3A_438] : memref<80x128xf32, #tpu.memory_space<vmem>> -> memref<80x128xf32, #tpu.memory_space<vmem>>
      tpu.enqueue_dma source(%dma_start3A_439 : memref<80x128xf32, #tpu.memory_space<vmem>>) target(%dma_start3A_436 : memref<80x128xf32, #tpu.memory_space<vmem_shared>>) target_semaphore(%run_scoped3A : memref<!tpu.dma_semaphore, #tpu.memory_space<semaphore_mem>>)
      %dma_wait3A = arith.constant 0 : i32
      %dma_wait3A_440 = arith.constant 0 : i32
      %dma_wait3A_441 = tpu.memref_slice %arg10[%dma_wait3A, %dma_wait3A_440] : memref<80x128xf32, #tpu.memory_space<vmem>> -> memref<80x128xf32, #tpu.memory_space<vmem>>
      %dma_wait3A_442 = arith.constant 0 : i32
      %dma_wait3A_443 = tpu.memref_slice %arg6[%add3A_29, %dma_wait3A_442] : memref<10128x128xf32, #tpu.memory_space<vmem_shared>> -> memref<80x128xf32, #tpu.memory_space<vmem_shared>>
      %dma_wait3A_444 = arith.constant 0 : i32
      %dma_wait3A_445 = tpu.memref_slice %arg6[%add3A_29, %dma_wait3A_444] : memref<10128x128xf32, #tpu.memory_space<vmem_shared>> -> memref<80x128xf32, #tpu.memory_space<vmem_shared>>
      %dma_wait3A_446 = arith.constant 0 : i32
      %dma_wait3A_447 = arith.constant 0 : i32
      %dma_wait3A_448 = tpu.memref_slice %arg10[%dma_wait3A_446, %dma_wait3A_447] : memref<80x128xf32, #tpu.memory_space<vmem>> -> memref<80x128xf32, #tpu.memory_space<vmem>>
      tpu.wait_dma2 semaphore(%run_scoped3A : memref<!tpu.dma_semaphore, #tpu.memory_space<semaphore_mem>>) src(%dma_wait3A_448 : memref<80x128xf32, #tpu.memory_space<vmem>>) dst(%dma_wait3A_445 : memref<80x128xf32, #tpu.memory_space<vmem_shared>>)
      tpu.yield
    }) : () -> ()
    %add3A_30 = arith.constant 320 : i32
    %add3A_31 = arith.addi %mul3A_4, %add3A_30 : i32
    "tpu.region"() ({
      %run_scoped3A = tpu.sem_alloc : memref<!tpu.dma_semaphore, #tpu.memory_space<semaphore_mem>>
      %dma_start3A = arith.constant 0 : i32
      %dma_start3A_431 = arith.constant 0 : i32
      %dma_start3A_432 = tpu.memref_slice %arg10[%dma_start3A, %dma_start3A_431] : memref<80x128xf32, #tpu.memory_space<vmem>> -> memref<80x128xf32, #tpu.memory_space<vmem>>
      %dma_start3A_433 = arith.constant 0 : i32
      %dma_start3A_434 = tpu.memref_slice %arg6[%add3A_31, %dma_start3A_433] : memref<10128x128xf32, #tpu.memory_space<vmem_shared>> -> memref<80x128xf32, #tpu.memory_space<vmem_shared>>
      %dma_start3A_435 = arith.constant 0 : i32
      %dma_start3A_436 = tpu.memref_slice %arg6[%add3A_31, %dma_start3A_435] : memref<10128x128xf32, #tpu.memory_space<vmem_shared>> -> memref<80x128xf32, #tpu.memory_space<vmem_shared>>
      %dma_start3A_437 = arith.constant 0 : i32
      %dma_start3A_438 = arith.constant 0 : i32
      %dma_start3A_439 = tpu.memref_slice %arg10[%dma_start3A_437, %dma_start3A_438] : memref<80x128xf32, #tpu.memory_space<vmem>> -> memref<80x128xf32, #tpu.memory_space<vmem>>
      tpu.enqueue_dma source(%dma_start3A_439 : memref<80x128xf32, #tpu.memory_space<vmem>>) target(%dma_start3A_436 : memref<80x128xf32, #tpu.memory_space<vmem_shared>>) target_semaphore(%run_scoped3A : memref<!tpu.dma_semaphore, #tpu.memory_space<semaphore_mem>>)
      %dma_wait3A = arith.constant 0 : i32
      %dma_wait3A_440 = arith.constant 0 : i32
      %dma_wait3A_441 = tpu.memref_slice %arg10[%dma_wait3A, %dma_wait3A_440] : memref<80x128xf32, #tpu.memory_space<vmem>> -> memref<80x128xf32, #tpu.memory_space<vmem>>
      %dma_wait3A_442 = arith.constant 0 : i32
      %dma_wait3A_443 = tpu.memref_slice %arg6[%add3A_31, %dma_wait3A_442] : memref<10128x128xf32, #tpu.memory_space<vmem_shared>> -> memref<80x128xf32, #tpu.memory_space<vmem_shared>>
      %dma_wait3A_444 = arith.constant 0 : i32
      %dma_wait3A_445 = tpu.memref_slice %arg6[%add3A_31, %dma_wait3A_444] : memref<10128x128xf32, #tpu.memory_space<vmem_shared>> -> memref<80x128xf32, #tpu.memory_space<vmem_shared>>
      %dma_wait3A_446 = arith.constant 0 : i32
      %dma_wait3A_447 = arith.constant 0 : i32
      %dma_wait3A_448 = tpu.memref_slice %arg10[%dma_wait3A_446, %dma_wait3A_447] : memref<80x128xf32, #tpu.memory_space<vmem>> -> memref<80x128xf32, #tpu.memory_space<vmem>>
      tpu.wait_dma2 semaphore(%run_scoped3A : memref<!tpu.dma_semaphore, #tpu.memory_space<semaphore_mem>>) src(%dma_wait3A_448 : memref<80x128xf32, #tpu.memory_space<vmem>>) dst(%dma_wait3A_445 : memref<80x128xf32, #tpu.memory_space<vmem_shared>>)
      tpu.yield
    }) : () -> ()
    %add3A_32 = arith.constant 400 : i32
    %add3A_33 = arith.addi %mul3A_4, %add3A_32 : i32
    "tpu.region"() ({
      %run_scoped3A = tpu.sem_alloc : memref<!tpu.dma_semaphore, #tpu.memory_space<semaphore_mem>>
      %dma_start3A = arith.constant 0 : i32
      %dma_start3A_431 = arith.constant 0 : i32
      %dma_start3A_432 = tpu.memref_slice %arg10[%dma_start3A, %dma_start3A_431] : memref<80x128xf32, #tpu.memory_space<vmem>> -> memref<80x128xf32, #tpu.memory_space<vmem>>
      %dma_start3A_433 = arith.constant 0 : i32
      %dma_start3A_434 = tpu.memref_slice %arg6[%add3A_33, %dma_start3A_433] : memref<10128x128xf32, #tpu.memory_space<vmem_shared>> -> memref<80x128xf32, #tpu.memory_space<vmem_shared>>
      %dma_start3A_435 = arith.constant 0 : i32
      %dma_start3A_436 = tpu.memref_slice %arg6[%add3A_33, %dma_start3A_435] : memref<10128x128xf32, #tpu.memory_space<vmem_shared>> -> memref<80x128xf32, #tpu.memory_space<vmem_shared>>
      %dma_start3A_437 = arith.constant 0 : i32
      %dma_start3A_438 = arith.constant 0 : i32
      %dma_start3A_439 = tpu.memref_slice %arg10[%dma_start3A_437, %dma_start3A_438] : memref<80x128xf32, #tpu.memory_space<vmem>> -> memref<80x128xf32, #tpu.memory_space<vmem>>
      tpu.enqueue_dma source(%dma_start3A_439 : memref<80x128xf32, #tpu.memory_space<vmem>>) target(%dma_start3A_436 : memref<80x128xf32, #tpu.memory_space<vmem_shared>>) target_semaphore(%run_scoped3A : memref<!tpu.dma_semaphore, #tpu.memory_space<semaphore_mem>>)
      %dma_wait3A = arith.constant 0 : i32
      %dma_wait3A_440 = arith.constant 0 : i32
      %dma_wait3A_441 = tpu.memref_slice %arg10[%dma_wait3A, %dma_wait3A_440] : memref<80x128xf32, #tpu.memory_space<vmem>> -> memref<80x128xf32, #tpu.memory_space<vmem>>
      %dma_wait3A_442 = arith.constant 0 : i32
      %dma_wait3A_443 = tpu.memref_slice %arg6[%add3A_33, %dma_wait3A_442] : memref<10128x128xf32, #tpu.memory_space<vmem_shared>> -> memref<80x128xf32, #tpu.memory_space<vmem_shared>>
      %dma_wait3A_444 = arith.constant 0 : i32
      %dma_wait3A_445 = tpu.memref_slice %arg6[%add3A_33, %dma_wait3A_444] : memref<10128x128xf32, #tpu.memory_space<vmem_shared>> -> memref<80x128xf32, #tpu.memory_space<vmem_shared>>
      %dma_wait3A_446 = arith.constant 0 : i32
      %dma_wait3A_447 = arith.constant 0 : i32
      %dma_wait3A_448 = tpu.memref_slice %arg10[%dma_wait3A_446, %dma_wait3A_447] : memref<80x128xf32, #tpu.memory_space<vmem>> -> memref<80x128xf32, #tpu.memory_space<vmem>>
      tpu.wait_dma2 semaphore(%run_scoped3A : memref<!tpu.dma_semaphore, #tpu.memory_space<semaphore_mem>>) src(%dma_wait3A_448 : memref<80x128xf32, #tpu.memory_space<vmem>>) dst(%dma_wait3A_445 : memref<80x128xf32, #tpu.memory_space<vmem_shared>>)
      tpu.yield
    }) : () -> ()
    %add3A_34 = arith.constant 480 : i32
    %add3A_35 = arith.addi %mul3A_4, %add3A_34 : i32
    "tpu.region"() ({
      %run_scoped3A = tpu.sem_alloc : memref<!tpu.dma_semaphore, #tpu.memory_space<semaphore_mem>>
      %dma_start3A = arith.constant 0 : i32
      %dma_start3A_431 = arith.constant 0 : i32
      %dma_start3A_432 = tpu.memref_slice %arg10[%dma_start3A, %dma_start3A_431] : memref<80x128xf32, #tpu.memory_space<vmem>> -> memref<80x128xf32, #tpu.memory_space<vmem>>
      %dma_start3A_433 = arith.constant 0 : i32
      %dma_start3A_434 = tpu.memref_slice %arg6[%add3A_35, %dma_start3A_433] : memref<10128x128xf32, #tpu.memory_space<vmem_shared>> -> memref<80x128xf32, #tpu.memory_space<vmem_shared>>
      %dma_start3A_435 = arith.constant 0 : i32
      %dma_start3A_436 = tpu.memref_slice %arg6[%add3A_35, %dma_start3A_435] : memref<10128x128xf32, #tpu.memory_space<vmem_shared>> -> memref<80x128xf32, #tpu.memory_space<vmem_shared>>
      %dma_start3A_437 = arith.constant 0 : i32
      %dma_start3A_438 = arith.constant 0 : i32
      %dma_start3A_439 = tpu.memref_slice %arg10[%dma_start3A_437, %dma_start3A_438] : memref<80x128xf32, #tpu.memory_space<vmem>> -> memref<80x128xf32, #tpu.memory_space<vmem>>
      tpu.enqueue_dma source(%dma_start3A_439 : memref<80x128xf32, #tpu.memory_space<vmem>>) target(%dma_start3A_436 : memref<80x128xf32, #tpu.memory_space<vmem_shared>>) target_semaphore(%run_scoped3A : memref<!tpu.dma_semaphore, #tpu.memory_space<semaphore_mem>>)
      %dma_wait3A = arith.constant 0 : i32
      %dma_wait3A_440 = arith.constant 0 : i32
      %dma_wait3A_441 = tpu.memref_slice %arg10[%dma_wait3A, %dma_wait3A_440] : memref<80x128xf32, #tpu.memory_space<vmem>> -> memref<80x128xf32, #tpu.memory_space<vmem>>
      %dma_wait3A_442 = arith.constant 0 : i32
      %dma_wait3A_443 = tpu.memref_slice %arg6[%add3A_35, %dma_wait3A_442] : memref<10128x128xf32, #tpu.memory_space<vmem_shared>> -> memref<80x128xf32, #tpu.memory_space<vmem_shared>>
      %dma_wait3A_444 = arith.constant 0 : i32
      %dma_wait3A_445 = tpu.memref_slice %arg6[%add3A_35, %dma_wait3A_444] : memref<10128x128xf32, #tpu.memory_space<vmem_shared>> -> memref<80x128xf32, #tpu.memory_space<vmem_shared>>
      %dma_wait3A_446 = arith.constant 0 : i32
      %dma_wait3A_447 = arith.constant 0 : i32
      %dma_wait3A_448 = tpu.memref_slice %arg10[%dma_wait3A_446, %dma_wait3A_447] : memref<80x128xf32, #tpu.memory_space<vmem>> -> memref<80x128xf32, #tpu.memory_space<vmem>>
      tpu.wait_dma2 semaphore(%run_scoped3A : memref<!tpu.dma_semaphore, #tpu.memory_space<semaphore_mem>>) src(%dma_wait3A_448 : memref<80x128xf32, #tpu.memory_space<vmem>>) dst(%dma_wait3A_445 : memref<80x128xf32, #tpu.memory_space<vmem_shared>>)
      tpu.yield
    }) : () -> ()
    %add3A_36 = arith.constant 560 : i32
    %add3A_37 = arith.addi %mul3A_4, %add3A_36 : i32
    "tpu.region"() ({
      %run_scoped3A = tpu.sem_alloc : memref<!tpu.dma_semaphore, #tpu.memory_space<semaphore_mem>>
      %dma_start3A = arith.constant 0 : i32
      %dma_start3A_431 = arith.constant 0 : i32
      %dma_start3A_432 = tpu.memref_slice %arg10[%dma_start3A, %dma_start3A_431] : memref<80x128xf32, #tpu.memory_space<vmem>> -> memref<64x128xf32, #tpu.memory_space<vmem>>
      %dma_start3A_433 = arith.constant 0 : i32
      %dma_start3A_434 = tpu.memref_slice %arg6[%add3A_37, %dma_start3A_433] : memref<10128x128xf32, #tpu.memory_space<vmem_shared>> -> memref<64x128xf32, #tpu.memory_space<vmem_shared>>
      %dma_start3A_435 = arith.constant 0 : i32
      %dma_start3A_436 = tpu.memref_slice %arg6[%add3A_37, %dma_start3A_435] : memref<10128x128xf32, #tpu.memory_space<vmem_shared>> -> memref<64x128xf32, #tpu.memory_space<vmem_shared>>
      %dma_start3A_437 = arith.constant 0 : i32
      %dma_start3A_438 = arith.constant 0 : i32
      %dma_start3A_439 = tpu.memref_slice %arg10[%dma_start3A_437, %dma_start3A_438] : memref<80x128xf32, #tpu.memory_space<vmem>> -> memref<64x128xf32, #tpu.memory_space<vmem>>
      tpu.enqueue_dma source(%dma_start3A_439 : memref<64x128xf32, #tpu.memory_space<vmem>>) target(%dma_start3A_436 : memref<64x128xf32, #tpu.memory_space<vmem_shared>>) target_semaphore(%run_scoped3A : memref<!tpu.dma_semaphore, #tpu.memory_space<semaphore_mem>>)
      %dma_wait3A = arith.constant 0 : i32
      %dma_wait3A_440 = arith.constant 0 : i32
      %dma_wait3A_441 = tpu.memref_slice %arg10[%dma_wait3A, %dma_wait3A_440] : memref<80x128xf32, #tpu.memory_space<vmem>> -> memref<64x128xf32, #tpu.memory_space<vmem>>
      %dma_wait3A_442 = arith.constant 0 : i32
      %dma_wait3A_443 = tpu.memref_slice %arg6[%add3A_37, %dma_wait3A_442] : memref<10128x128xf32, #tpu.memory_space<vmem_shared>> -> memref<64x128xf32, #tpu.memory_space<vmem_shared>>
      %dma_wait3A_444 = arith.constant 0 : i32
      %dma_wait3A_445 = tpu.memref_slice %arg6[%add3A_37, %dma_wait3A_444] : memref<10128x128xf32, #tpu.memory_space<vmem_shared>> -> memref<64x128xf32, #tpu.memory_space<vmem_shared>>
      %dma_wait3A_446 = arith.constant 0 : i32
      %dma_wait3A_447 = arith.constant 0 : i32
      %dma_wait3A_448 = tpu.memref_slice %arg10[%dma_wait3A_446, %dma_wait3A_447] : memref<80x128xf32, #tpu.memory_space<vmem>> -> memref<64x128xf32, #tpu.memory_space<vmem>>
      tpu.wait_dma2 semaphore(%run_scoped3A : memref<!tpu.dma_semaphore, #tpu.memory_space<semaphore_mem>>) src(%dma_wait3A_448 : memref<64x128xf32, #tpu.memory_space<vmem>>) dst(%dma_wait3A_445 : memref<64x128xf32, #tpu.memory_space<vmem_shared>>)
      tpu.yield
    }) : () -> ()
    "tpu.region"() ({
      %run_scoped3A = tpu.sem_alloc : memref<!tpu.dma_semaphore, #tpu.memory_space<semaphore_mem>>
      %dma_start3A = arith.constant 0 : i32
      %dma_start3A_431 = tpu.memref_slice %arg12[%dma_start3A] : memref<640xf32, #tpu.memory_space<vmem>> -> memref<624xf32, #tpu.memory_space<vmem>>
      %dma_start3A_432 = tpu.memref_slice %arg7[%mul3A_4] : memref<10000xf32, #tpu.memory_space<vmem_shared>> -> memref<624xf32, #tpu.memory_space<vmem_shared>>
      %dma_start3A_433 = tpu.memref_slice %arg7[%mul3A_4] : memref<10000xf32, #tpu.memory_space<vmem_shared>> -> memref<624xf32, #tpu.memory_space<vmem_shared>>
      %dma_start3A_434 = arith.constant 0 : i32
      %dma_start3A_435 = tpu.memref_slice %arg12[%dma_start3A_434] : memref<640xf32, #tpu.memory_space<vmem>> -> memref<624xf32, #tpu.memory_space<vmem>>
      tpu.enqueue_dma source(%dma_start3A_435 : memref<624xf32, #tpu.memory_space<vmem>>) target(%dma_start3A_433 : memref<624xf32, #tpu.memory_space<vmem_shared>>) target_semaphore(%run_scoped3A : memref<!tpu.dma_semaphore, #tpu.memory_space<semaphore_mem>>)
      %dma_wait3A = arith.constant 0 : i32
      %dma_wait3A_436 = tpu.memref_slice %arg12[%dma_wait3A] : memref<640xf32, #tpu.memory_space<vmem>> -> memref<624xf32, #tpu.memory_space<vmem>>
      %dma_wait3A_437 = tpu.memref_slice %arg7[%mul3A_4] : memref<10000xf32, #tpu.memory_space<vmem_shared>> -> memref<624xf32, #tpu.memory_space<vmem_shared>>
      %dma_wait3A_438 = tpu.memref_slice %arg7[%mul3A_4] : memref<10000xf32, #tpu.memory_space<vmem_shared>> -> memref<624xf32, #tpu.memory_space<vmem_shared>>
      %dma_wait3A_439 = arith.constant 0 : i32
      %dma_wait3A_440 = tpu.memref_slice %arg12[%dma_wait3A_439] : memref<640xf32, #tpu.memory_space<vmem>> -> memref<624xf32, #tpu.memory_space<vmem>>
      tpu.wait_dma2 semaphore(%run_scoped3A : memref<!tpu.dma_semaphore, #tpu.memory_space<semaphore_mem>>) src(%dma_wait3A_440 : memref<624xf32, #tpu.memory_space<vmem>>) dst(%dma_wait3A_438 : memref<624xf32, #tpu.memory_space<vmem_shared>>)
      tpu.yield
    }) : () -> ()
    %eq3A = arith.constant 15 : i32
    %eq3A_38 = arith.cmpi eq, %arg1, %eq3A : i32
    %convert_element_type3A = arith.extui %eq3A_38 : i1 to i32
    %cond3A = arith.constant 0 : i32
    %cond3A_39 = arith.cmpi ne, %convert_element_type3A, %cond3A : i32
    scf.if %cond3A_39 {
      "tpu.region"() ({
        %run_scoped3A = tpu.sem_alloc : memref<!tpu.dma_semaphore, #tpu.memory_space<semaphore_mem>>
        %dma_start3A = arith.constant 0 : i32
        %dma_start3A_431 = arith.constant 0 : i32
        %dma_start3A_432 = tpu.memref_slice %arg10[%dma_start3A, %dma_start3A_431] : memref<80x128xf32, #tpu.memory_space<vmem>> -> memref<16x128xf32, #tpu.memory_space<vmem>>
        %dma_start3A_433 = arith.constant 9984 : i32
        %dma_start3A_434 = arith.constant 0 : i32
        %dma_start3A_435 = tpu.memref_slice %arg6[%dma_start3A_433, %dma_start3A_434] : memref<10128x128xf32, #tpu.memory_space<vmem_shared>> -> memref<16x128xf32, #tpu.memory_space<vmem_shared>>
        %dma_start3A_436 = arith.constant 9984 : i32
        %dma_start3A_437 = arith.constant 0 : i32
        %dma_start3A_438 = tpu.memref_slice %arg6[%dma_start3A_436, %dma_start3A_437] : memref<10128x128xf32, #tpu.memory_space<vmem_shared>> -> memref<16x128xf32, #tpu.memory_space<vmem_shared>>
        %dma_start3A_439 = arith.constant 0 : i32
        %dma_start3A_440 = arith.constant 0 : i32
        %dma_start3A_441 = tpu.memref_slice %arg10[%dma_start3A_439, %dma_start3A_440] : memref<80x128xf32, #tpu.memory_space<vmem>> -> memref<16x128xf32, #tpu.memory_space<vmem>>
        tpu.enqueue_dma source(%dma_start3A_441 : memref<16x128xf32, #tpu.memory_space<vmem>>) target(%dma_start3A_438 : memref<16x128xf32, #tpu.memory_space<vmem_shared>>) target_semaphore(%run_scoped3A : memref<!tpu.dma_semaphore, #tpu.memory_space<semaphore_mem>>)
        %dma_wait3A = arith.constant 0 : i32
        %dma_wait3A_442 = arith.constant 0 : i32
        %dma_wait3A_443 = tpu.memref_slice %arg10[%dma_wait3A, %dma_wait3A_442] : memref<80x128xf32, #tpu.memory_space<vmem>> -> memref<16x128xf32, #tpu.memory_space<vmem>>
        %dma_wait3A_444 = arith.constant 9984 : i32
        %dma_wait3A_445 = arith.constant 0 : i32
        %dma_wait3A_446 = tpu.memref_slice %arg6[%dma_wait3A_444, %dma_wait3A_445] : memref<10128x128xf32, #tpu.memory_space<vmem_shared>> -> memref<16x128xf32, #tpu.memory_space<vmem_shared>>
        %dma_wait3A_447 = arith.constant 9984 : i32
        %dma_wait3A_448 = arith.constant 0 : i32
        %dma_wait3A_449 = tpu.memref_slice %arg6[%dma_wait3A_447, %dma_wait3A_448] : memref<10128x128xf32, #tpu.memory_space<vmem_shared>> -> memref<16x128xf32, #tpu.memory_space<vmem_shared>>
        %dma_wait3A_450 = arith.constant 0 : i32
        %dma_wait3A_451 = arith.constant 0 : i32
        %dma_wait3A_452 = tpu.memref_slice %arg10[%dma_wait3A_450, %dma_wait3A_451] : memref<80x128xf32, #tpu.memory_space<vmem>> -> memref<16x128xf32, #tpu.memory_space<vmem>>
        tpu.wait_dma2 semaphore(%run_scoped3A : memref<!tpu.dma_semaphore, #tpu.memory_space<semaphore_mem>>) src(%dma_wait3A_452 : memref<16x128xf32, #tpu.memory_space<vmem>>) dst(%dma_wait3A_449 : memref<16x128xf32, #tpu.memory_space<vmem_shared>>)
        tpu.yield
      }) : () -> ()
      "tpu.region"() ({
        %run_scoped3A = tpu.sem_alloc : memref<!tpu.dma_semaphore, #tpu.memory_space<semaphore_mem>>
        %dma_start3A = arith.constant 0 : i32
        %dma_start3A_431 = tpu.memref_slice %arg12[%dma_start3A] : memref<640xf32, #tpu.memory_space<vmem>> -> memref<16xf32, #tpu.memory_space<vmem>>
        %dma_start3A_432 = arith.constant 9984 : i32
        %dma_start3A_433 = tpu.memref_slice %arg7[%dma_start3A_432] : memref<10000xf32, #tpu.memory_space<vmem_shared>> -> memref<16xf32, #tpu.memory_space<vmem_shared>>
        %dma_start3A_434 = arith.constant 9984 : i32
        %dma_start3A_435 = tpu.memref_slice %arg7[%dma_start3A_434] : memref<10000xf32, #tpu.memory_space<vmem_shared>> -> memref<16xf32, #tpu.memory_space<vmem_shared>>
        %dma_start3A_436 = arith.constant 0 : i32
        %dma_start3A_437 = tpu.memref_slice %arg12[%dma_start3A_436] : memref<640xf32, #tpu.memory_space<vmem>> -> memref<16xf32, #tpu.memory_space<vmem>>
        tpu.enqueue_dma source(%dma_start3A_437 : memref<16xf32, #tpu.memory_space<vmem>>) target(%dma_start3A_435 : memref<16xf32, #tpu.memory_space<vmem_shared>>) target_semaphore(%run_scoped3A : memref<!tpu.dma_semaphore, #tpu.memory_space<semaphore_mem>>)
        %dma_wait3A = arith.constant 0 : i32
        %dma_wait3A_438 = tpu.memref_slice %arg12[%dma_wait3A] : memref<640xf32, #tpu.memory_space<vmem>> -> memref<16xf32, #tpu.memory_space<vmem>>
        %dma_wait3A_439 = arith.constant 9984 : i32
        %dma_wait3A_440 = tpu.memref_slice %arg7[%dma_wait3A_439] : memref<10000xf32, #tpu.memory_space<vmem_shared>> -> memref<16xf32, #tpu.memory_space<vmem_shared>>
        %dma_wait3A_441 = arith.constant 9984 : i32
        %dma_wait3A_442 = tpu.memref_slice %arg7[%dma_wait3A_441] : memref<10000xf32, #tpu.memory_space<vmem_shared>> -> memref<16xf32, #tpu.memory_space<vmem_shared>>
        %dma_wait3A_443 = arith.constant 0 : i32
        %dma_wait3A_444 = tpu.memref_slice %arg12[%dma_wait3A_443] : memref<640xf32, #tpu.memory_space<vmem>> -> memref<16xf32, #tpu.memory_space<vmem>>
        tpu.wait_dma2 semaphore(%run_scoped3A : memref<!tpu.dma_semaphore, #tpu.memory_space<semaphore_mem>>) src(%dma_wait3A_444 : memref<16xf32, #tpu.memory_space<vmem>>) dst(%dma_wait3A_442 : memref<16xf32, #tpu.memory_space<vmem_shared>>)
        tpu.yield
      }) : () -> ()
    } else {
    }
    %barrier3A = arith.constant 0 : index
    tpu.barrier barrier_id(%barrier3A)
    %scan3A_40 = arith.constant 0 : i32
    %scan3A_41 = arith.constant 0 : i32
    %scan3A_42 = arith.constant 125 : i32
    %scan3A_43 = arith.addi %scan3A_41, %scan3A_42 : i32
    %scan3A_44 = arith.constant 1 : i32
    scf.for %scan3A_431 = %scan3A_41 to %scan3A_43 step %scan3A_44  : i32 {
      %mul3A_432 = arith.constant 80 : i32
      %mul3A_433 = arith.muli %scan3A_431, %mul3A_432 : i32
      %add3A_434 = arith.addi %mul3A_2, %mul3A_433 : i32
      "tpu.region"() ({
        %run_scoped3A = tpu.sem_alloc : memref<!tpu.dma_semaphore, #tpu.memory_space<semaphore_mem>>
        %dma_start3A_439 = tpu.memref_slice %arg3[%add3A_434] : memref<320000xi32, #tpu.memory_space<hbm>> -> memref<80xi32, #tpu.memory_space<hbm>>
        %dma_start3A_440 = tpu.memref_slice %arg3[%add3A_434] : memref<320000xi32, #tpu.memory_space<hbm>> -> memref<80xi32, #tpu.memory_space<hbm>>
        tpu.enqueue_dma source(%dma_start3A_440 : memref<80xi32, #tpu.memory_space<hbm>>) target(%arg8 : memref<80xi32, #tpu.memory_space<vmem>>) target_semaphore(%run_scoped3A : memref<!tpu.dma_semaphore, #tpu.memory_space<semaphore_mem>>)
        %dma_wait3A_441 = tpu.memref_slice %arg3[%add3A_434] : memref<320000xi32, #tpu.memory_space<hbm>> -> memref<80xi32, #tpu.memory_space<hbm>>
        %dma_wait3A_442 = tpu.memref_slice %arg3[%add3A_434] : memref<320000xi32, #tpu.memory_space<hbm>> -> memref<80xi32, #tpu.memory_space<hbm>>
        tpu.wait_dma2 semaphore(%run_scoped3A : memref<!tpu.dma_semaphore, #tpu.memory_space<semaphore_mem>>) src(%dma_wait3A_442 : memref<80xi32, #tpu.memory_space<hbm>>) dst(%arg8 : memref<80xi32, #tpu.memory_space<vmem>>)
        tpu.yield
      }) : () -> ()
      "tpu.region"() ({
        %run_scoped3A = tpu.sem_alloc : memref<!tpu.dma_semaphore, #tpu.memory_space<semaphore_mem>>
        %dma_start3A_439 = tpu.memref_slice %arg4[%add3A_434] : memref<320000xi32, #tpu.memory_space<hbm>> -> memref<80xi32, #tpu.memory_space<hbm>>
        %dma_start3A_440 = tpu.memref_slice %arg4[%add3A_434] : memref<320000xi32, #tpu.memory_space<hbm>> -> memref<80xi32, #tpu.memory_space<hbm>>
        tpu.enqueue_dma source(%dma_start3A_440 : memref<80xi32, #tpu.memory_space<hbm>>) target(%arg9 : memref<80xi32, #tpu.memory_space<vmem>>) target_semaphore(%run_scoped3A : memref<!tpu.dma_semaphore, #tpu.memory_space<semaphore_mem>>)
        %dma_wait3A_441 = tpu.memref_slice %arg4[%add3A_434] : memref<320000xi32, #tpu.memory_space<hbm>> -> memref<80xi32, #tpu.memory_space<hbm>>
        %dma_wait3A_442 = tpu.memref_slice %arg4[%add3A_434] : memref<320000xi32, #tpu.memory_space<hbm>> -> memref<80xi32, #tpu.memory_space<hbm>>
        tpu.wait_dma2 semaphore(%run_scoped3A : memref<!tpu.dma_semaphore, #tpu.memory_space<semaphore_mem>>) src(%dma_wait3A_442 : memref<80xi32, #tpu.memory_space<hbm>>) dst(%arg9 : memref<80xi32, #tpu.memory_space<vmem>>)
        tpu.yield
      }) : () -> ()
      %dma_start3A = arith.constant 0 : i32
      %dma_start3A_435 = arith.constant 0 : i32
      %dma_start3A_436 = tpu.memref_slice %arg2[%dma_start3A, %dma_start3A_435] : memref<10000x128xf32, #tpu.memory_space<hbm>> -> memref<10000x128xf32, #tpu.memory_space<hbm>>
      tpu.enqueue_indirect_dma source(%dma_start3A_436 : memref<10000x128xf32, #tpu.memory_space<hbm>>) target(%arg10 : memref<80x128xf32, #tpu.memory_space<vmem>>) offsets(%arg8 : memref<80xi32, #tpu.memory_space<vmem>>) semaphore(%arg14 : memref<!tpu.dma_semaphore, #tpu.memory_space<semaphore_mem>>)
      %dma_wait3A = arith.constant 0 : i32
      %dma_wait3A_437 = arith.constant 0 : i32
      %dma_wait3A_438 = tpu.memref_slice %arg2[%dma_wait3A, %dma_wait3A_437] : memref<10000x128xf32, #tpu.memory_space<hbm>> -> memref<10000x128xf32, #tpu.memory_space<hbm>>
      tpu.wait_indirect_dma semaphore(%arg14 : memref<!tpu.dma_semaphore, #tpu.memory_space<semaphore_mem>>) src(%dma_wait3A_438 : memref<10000x128xf32, #tpu.memory_space<hbm>>) dst(%arg10 : memref<80x128xf32, #tpu.memory_space<vmem>>)
      "tpu.region"() ({
        %run_scoped3A = tpu.sem_alloc : memref<!tpu.dma_semaphore, #tpu.memory_space<semaphore_mem>>
        %dma_start3A_439 = arith.constant 0 : i32
        %dma_start3A_440 = arith.constant 0 : i32
        %dma_start3A_441 = tpu.memref_slice %arg6[%dma_start3A_439, %dma_start3A_440] : memref<10128x128xf32, #tpu.memory_space<vmem_shared>> -> memref<10128x128xf32, #tpu.memory_space<vmem_shared>>
        tpu.enqueue_indirect_dma source(%arg10 : memref<80x128xf32, #tpu.memory_space<vmem>>) target(%dma_start3A_441 : memref<10128x128xf32, #tpu.memory_space<vmem_shared>>) offsets(%arg9 : memref<80xi32, #tpu.memory_space<vmem>>) semaphore(%run_scoped3A : memref<!tpu.dma_semaphore, #tpu.memory_space<semaphore_mem>>) {add = true}
        %dma_wait3A_442 = arith.constant 0 : i32
        %dma_wait3A_443 = arith.constant 0 : i32
        %dma_wait3A_444 = tpu.memref_slice %arg6[%dma_wait3A_442, %dma_wait3A_443] : memref<10128x128xf32, #tpu.memory_space<vmem_shared>> -> memref<10128x128xf32, #tpu.memory_space<vmem_shared>>
        tpu.wait_indirect_dma semaphore(%run_scoped3A : memref<!tpu.dma_semaphore, #tpu.memory_space<semaphore_mem>>) src(%arg10 : memref<80x128xf32, #tpu.memory_space<vmem>>) dst(%dma_wait3A_444 : memref<10128x128xf32, #tpu.memory_space<vmem_shared>>)
        tpu.yield
      }) : () -> ()
      "tpu.region"() ({
        %run_scoped3A = tpu.sem_alloc : memref<!tpu.dma_semaphore, #tpu.memory_space<semaphore_mem>>
        %dma_start3A_439 = arith.constant 0 : i32
        %dma_start3A_440 = tpu.memref_slice %arg7[%dma_start3A_439] : memref<10000xf32, #tpu.memory_space<vmem_shared>> -> memref<10000xf32, #tpu.memory_space<vmem_shared>>
        tpu.enqueue_indirect_dma source(%arg11 : memref<80xf32, #tpu.memory_space<vmem>>) target(%dma_start3A_440 : memref<10000xf32, #tpu.memory_space<vmem_shared>>) offsets(%arg9 : memref<80xi32, #tpu.memory_space<vmem>>) semaphore(%run_scoped3A : memref<!tpu.dma_semaphore, #tpu.memory_space<semaphore_mem>>) {add = true}
        %dma_wait3A_441 = arith.constant 0 : i32
        %dma_wait3A_442 = tpu.memref_slice %arg7[%dma_wait3A_441] : memref<10000xf32, #tpu.memory_space<vmem_shared>> -> memref<10000xf32, #tpu.memory_space<vmem_shared>>
        tpu.wait_indirect_dma semaphore(%run_scoped3A : memref<!tpu.dma_semaphore, #tpu.memory_space<semaphore_mem>>) src(%arg11 : memref<80xf32, #tpu.memory_space<vmem>>) dst(%dma_wait3A_442 : memref<10000xf32, #tpu.memory_space<vmem_shared>>)
        tpu.yield
      }) : () -> ()
    }
    %scan3A_45 = arith.constant 125 : i32
    %barrier3A_46 = arith.constant 0 : index
    tpu.barrier barrier_id(%barrier3A_46)
    "tpu.region"() ({
      %run_scoped3A = tpu.sem_alloc : memref<!tpu.dma_semaphore, #tpu.memory_space<semaphore_mem>>
      %dma_start3A = arith.constant 0 : i32
      %dma_start3A_431 = tpu.memref_slice %arg12[%dma_start3A] : memref<640xf32, #tpu.memory_space<vmem>> -> memref<624xf32, #tpu.memory_space<vmem>>
      %dma_start3A_432 = tpu.memref_slice %arg7[%mul3A_4] : memref<10000xf32, #tpu.memory_space<vmem_shared>> -> memref<624xf32, #tpu.memory_space<vmem_shared>>
      %dma_start3A_433 = arith.constant 0 : i32
      %dma_start3A_434 = tpu.memref_slice %arg12[%dma_start3A_433] : memref<640xf32, #tpu.memory_space<vmem>> -> memref<624xf32, #tpu.memory_space<vmem>>
      %dma_start3A_435 = tpu.memref_slice %arg7[%mul3A_4] : memref<10000xf32, #tpu.memory_space<vmem_shared>> -> memref<624xf32, #tpu.memory_space<vmem_shared>>
      tpu.enqueue_dma source(%dma_start3A_435 : memref<624xf32, #tpu.memory_space<vmem_shared>>) target(%dma_start3A_434 : memref<624xf32, #tpu.memory_space<vmem>>) target_semaphore(%run_scoped3A : memref<!tpu.dma_semaphore, #tpu.memory_space<semaphore_mem>>)
      %dma_wait3A = arith.constant 0 : i32
      %dma_wait3A_436 = tpu.memref_slice %arg12[%dma_wait3A] : memref<640xf32, #tpu.memory_space<vmem>> -> memref<624xf32, #tpu.memory_space<vmem>>
      %dma_wait3A_437 = tpu.memref_slice %arg7[%mul3A_4] : memref<10000xf32, #tpu.memory_space<vmem_shared>> -> memref<624xf32, #tpu.memory_space<vmem_shared>>
      %dma_wait3A_438 = arith.constant 0 : i32
      %dma_wait3A_439 = tpu.memref_slice %arg12[%dma_wait3A_438] : memref<640xf32, #tpu.memory_space<vmem>> -> memref<624xf32, #tpu.memory_space<vmem>>
      %dma_wait3A_440 = tpu.memref_slice %arg7[%mul3A_4] : memref<10000xf32, #tpu.memory_space<vmem_shared>> -> memref<624xf32, #tpu.memory_space<vmem_shared>>
      tpu.wait_dma2 semaphore(%run_scoped3A : memref<!tpu.dma_semaphore, #tpu.memory_space<semaphore_mem>>) src(%dma_wait3A_440 : memref<624xf32, #tpu.memory_space<vmem_shared>>) dst(%dma_wait3A_439 : memref<624xf32, #tpu.memory_space<vmem>>)
      tpu.yield
    }) : () -> ()
    %eq3A_47 = arith.constant 15 : i32
    %eq3A_48 = arith.cmpi eq, %arg1, %eq3A_47 : i32
    %convert_element_type3A_49 = arith.extui %eq3A_48 : i1 to i32
    %cond3A_50 = arith.constant 0 : i32
    %cond3A_51 = arith.cmpi ne, %convert_element_type3A_49, %cond3A_50 : i32
    scf.if %cond3A_51 {
      "tpu.region"() ({
        %run_scoped3A = tpu.sem_alloc : memref<!tpu.dma_semaphore, #tpu.memory_space<semaphore_mem>>
        %dma_start3A = arith.constant 624 : i32
        %dma_start3A_431 = tpu.memref_slice %arg12[%dma_start3A] : memref<640xf32, #tpu.memory_space<vmem>> -> memref<16xf32, #tpu.memory_space<vmem>>
        %dma_start3A_432 = arith.constant 9984 : i32
        %dma_start3A_433 = tpu.memref_slice %arg7[%dma_start3A_432] : memref<10000xf32, #tpu.memory_space<vmem_shared>> -> memref<16xf32, #tpu.memory_space<vmem_shared>>
        %dma_start3A_434 = arith.constant 624 : i32
        %dma_start3A_435 = tpu.memref_slice %arg12[%dma_start3A_434] : memref<640xf32, #tpu.memory_space<vmem>> -> memref<16xf32, #tpu.memory_space<vmem>>
        %dma_start3A_436 = arith.constant 9984 : i32
        %dma_start3A_437 = tpu.memref_slice %arg7[%dma_start3A_436] : memref<10000xf32, #tpu.memory_space<vmem_shared>> -> memref<16xf32, #tpu.memory_space<vmem_shared>>
        tpu.enqueue_dma source(%dma_start3A_437 : memref<16xf32, #tpu.memory_space<vmem_shared>>) target(%dma_start3A_435 : memref<16xf32, #tpu.memory_space<vmem>>) target_semaphore(%run_scoped3A : memref<!tpu.dma_semaphore, #tpu.memory_space<semaphore_mem>>)
        %dma_wait3A = arith.constant 624 : i32
        %dma_wait3A_438 = tpu.memref_slice %arg12[%dma_wait3A] : memref<640xf32, #tpu.memory_space<vmem>> -> memref<16xf32, #tpu.memory_space<vmem>>
        %dma_wait3A_439 = arith.constant 9984 : i32
        %dma_wait3A_440 = tpu.memref_slice %arg7[%dma_wait3A_439] : memref<10000xf32, #tpu.memory_space<vmem_shared>> -> memref<16xf32, #tpu.memory_space<vmem_shared>>
        %dma_wait3A_441 = arith.constant 624 : i32
        %dma_wait3A_442 = tpu.memref_slice %arg12[%dma_wait3A_441] : memref<640xf32, #tpu.memory_space<vmem>> -> memref<16xf32, #tpu.memory_space<vmem>>
        %dma_wait3A_443 = arith.constant 9984 : i32
        %dma_wait3A_444 = tpu.memref_slice %arg7[%dma_wait3A_443] : memref<10000xf32, #tpu.memory_space<vmem_shared>> -> memref<16xf32, #tpu.memory_space<vmem_shared>>
        tpu.wait_dma2 semaphore(%run_scoped3A : memref<!tpu.dma_semaphore, #tpu.memory_space<semaphore_mem>>) src(%dma_wait3A_444 : memref<16xf32, #tpu.memory_space<vmem_shared>>) dst(%dma_wait3A_442 : memref<16xf32, #tpu.memory_space<vmem>>)
        tpu.yield
      }) : () -> ()
    } else {
    }
    %get3A = arith.constant 0 : index
    %get3A_52 = tpu.vector_load %arg12[%get3A] {strides = array<i32>} : memref<640xf32, #tpu.memory_space<vmem>>, vector<16xf32>,
    %get3A_53 = vector.shape_cast %get3A_52 : vector<16xf32> to vector<16xf32>
    %swap3A = arith.constant 0 : i32
    %swap3A_54 = arith.index_cast %swap3A : i32 to index
    %swap3A_55 = arith.constant 0 : index
    %swap3A_56 = tpu.vector_load %arg13[%swap3A_54, %swap3A_55] {strides = array<i32>} : memref<8x128xf32, #tpu.memory_space<vmem>>, vector<1x16xf32>,
    %swap3A_57 = vector.shape_cast %swap3A_56 : vector<1x16xf32> to vector<16xf32>
    %swap3A_58 = vector.shape_cast %get3A_53 : vector<16xf32> to vector<1x16xf32>
    tpu.vector_store %arg13[%swap3A_54, %swap3A_55], %swap3A_58 {strides = array<i32>} : memref<8x128xf32, #tpu.memory_space<vmem>>, vector<1x16xf32>,
    %get3A_59 = arith.constant 16 : index
    %get3A_60 = tpu.vector_load %arg12[%get3A_59] {strides = array<i32>} : memref<640xf32, #tpu.memory_space<vmem>>, vector<16xf32>,
    %get3A_61 = vector.shape_cast %get3A_60 : vector<16xf32> to vector<16xf32>
    %swap3A_62 = arith.constant 0 : i32
    %swap3A_63 = arith.index_cast %swap3A_62 : i32 to index
    %swap3A_64 = arith.constant 16 : index
    %swap3A_65 = tpu.vector_load %arg13[%swap3A_63, %swap3A_64] {strides = array<i32>} : memref<8x128xf32, #tpu.memory_space<vmem>>, vector<1x16xf32>,
    %swap3A_66 = vector.shape_cast %swap3A_65 : vector<1x16xf32> to vector<16xf32>
    %swap3A_67 = vector.shape_cast %get3A_61 : vector<16xf32> to vector<1x16xf32>
    tpu.vector_store %arg13[%swap3A_63, %swap3A_64], %swap3A_67 {strides = array<i32>} : memref<8x128xf32, #tpu.memory_space<vmem>>, vector<1x16xf32>,
    %get3A_68 = arith.constant 32 : index
    %get3A_69 = tpu.vector_load %arg12[%get3A_68] {strides = array<i32>} : memref<640xf32, #tpu.memory_space<vmem>>, vector<16xf32>,
    %get3A_70 = vector.shape_cast %get3A_69 : vector<16xf32> to vector<16xf32>
    %swap3A_71 = arith.constant 0 : i32
    %swap3A_72 = arith.index_cast %swap3A_71 : i32 to index
    %swap3A_73 = arith.constant 32 : index
    %swap3A_74 = tpu.vector_load %arg13[%swap3A_72, %swap3A_73] {strides = array<i32>} : memref<8x128xf32, #tpu.memory_space<vmem>>, vector<1x16xf32>,
    %swap3A_75 = vector.shape_cast %swap3A_74 : vector<1x16xf32> to vector<16xf32>
    %swap3A_76 = vector.shape_cast %get3A_70 : vector<16xf32> to vector<1x16xf32>
    tpu.vector_store %arg13[%swap3A_72, %swap3A_73], %swap3A_76 {strides = array<i32>} : memref<8x128xf32, #tpu.memory_space<vmem>>, vector<1x16xf32>,
    %get3A_77 = arith.constant 48 : index
    %get3A_78 = tpu.vector_load %arg12[%get3A_77] {strides = array<i32>} : memref<640xf32, #tpu.memory_space<vmem>>, vector<16xf32>,
    %get3A_79 = vector.shape_cast %get3A_78 : vector<16xf32> to vector<16xf32>
    %swap3A_80 = arith.constant 0 : i32
    %swap3A_81 = arith.index_cast %swap3A_80 : i32 to index
    %swap3A_82 = arith.constant 48 : index
    %swap3A_83 = tpu.vector_load %arg13[%swap3A_81, %swap3A_82] {strides = array<i32>} : memref<8x128xf32, #tpu.memory_space<vmem>>, vector<1x16xf32>,
    %swap3A_84 = vector.shape_cast %swap3A_83 : vector<1x16xf32> to vector<16xf32>
    %swap3A_85 = vector.shape_cast %get3A_79 : vector<16xf32> to vector<1x16xf32>
    tpu.vector_store %arg13[%swap3A_81, %swap3A_82], %swap3A_85 {strides = array<i32>} : memref<8x128xf32, #tpu.memory_space<vmem>>, vector<1x16xf32>,
    %get3A_86 = arith.constant 64 : index
    %get3A_87 = tpu.vector_load %arg12[%get3A_86] {strides = array<i32>} : memref<640xf32, #tpu.memory_space<vmem>>, vector<16xf32>,
    %get3A_88 = vector.shape_cast %get3A_87 : vector<16xf32> to vector<16xf32>
    %swap3A_89 = arith.constant 0 : i32
    %swap3A_90 = arith.index_cast %swap3A_89 : i32 to index
    %swap3A_91 = arith.constant 64 : index
    %swap3A_92 = tpu.vector_load %arg13[%swap3A_90, %swap3A_91] {strides = array<i32>} : memref<8x128xf32, #tpu.memory_space<vmem>>, vector<1x16xf32>,
    %swap3A_93 = vector.shape_cast %swap3A_92 : vector<1x16xf32> to vector<16xf32>
    %swap3A_94 = vector.shape_cast %get3A_88 : vector<16xf32> to vector<1x16xf32>
    tpu.vector_store %arg13[%swap3A_90, %swap3A_91], %swap3A_94 {strides = array<i32>} : memref<8x128xf32, #tpu.memory_space<vmem>>, vector<1x16xf32>,
    %get3A_95 = arith.constant 80 : index
    %get3A_96 = tpu.vector_load %arg12[%get3A_95] {strides = array<i32>} : memref<640xf32, #tpu.memory_space<vmem>>, vector<16xf32>,
    %get3A_97 = vector.shape_cast %get3A_96 : vector<16xf32> to vector<16xf32>
    %swap3A_98 = arith.constant 0 : i32
    %swap3A_99 = arith.index_cast %swap3A_98 : i32 to index
    %swap3A_100 = arith.constant 80 : index
    %swap3A_101 = tpu.vector_load %arg13[%swap3A_99, %swap3A_100] {strides = array<i32>} : memref<8x128xf32, #tpu.memory_space<vmem>>, vector<1x16xf32>,
    %swap3A_102 = vector.shape_cast %swap3A_101 : vector<1x16xf32> to vector<16xf32>
    %swap3A_103 = vector.shape_cast %get3A_97 : vector<16xf32> to vector<1x16xf32>
    tpu.vector_store %arg13[%swap3A_99, %swap3A_100], %swap3A_103 {strides = array<i32>} : memref<8x128xf32, #tpu.memory_space<vmem>>, vector<1x16xf32>,
    %get3A_104 = arith.constant 96 : index
    %get3A_105 = tpu.vector_load %arg12[%get3A_104] {strides = array<i32>} : memref<640xf32, #tpu.memory_space<vmem>>, vector<16xf32>,
    %get3A_106 = vector.shape_cast %get3A_105 : vector<16xf32> to vector<16xf32>
    %swap3A_107 = arith.constant 0 : i32
    %swap3A_108 = arith.index_cast %swap3A_107 : i32 to index
    %swap3A_109 = arith.constant 96 : index
    %swap3A_110 = tpu.vector_load %arg13[%swap3A_108, %swap3A_109] {strides = array<i32>} : memref<8x128xf32, #tpu.memory_space<vmem>>, vector<1x16xf32>,
    %swap3A_111 = vector.shape_cast %swap3A_110 : vector<1x16xf32> to vector<16xf32>
    %swap3A_112 = vector.shape_cast %get3A_106 : vector<16xf32> to vector<1x16xf32>
    tpu.vector_store %arg13[%swap3A_108, %swap3A_109], %swap3A_112 {strides = array<i32>} : memref<8x128xf32, #tpu.memory_space<vmem>>, vector<1x16xf32>,
    %get3A_113 = arith.constant 112 : index
    %get3A_114 = tpu.vector_load %arg12[%get3A_113] {strides = array<i32>} : memref<640xf32, #tpu.memory_space<vmem>>, vector<16xf32>,
    %get3A_115 = vector.shape_cast %get3A_114 : vector<16xf32> to vector<16xf32>
    %swap3A_116 = arith.constant 0 : i32
    %swap3A_117 = arith.index_cast %swap3A_116 : i32 to index
    %swap3A_118 = arith.constant 112 : index
    %swap3A_119 = tpu.vector_load %arg13[%swap3A_117, %swap3A_118] {strides = array<i32>} : memref<8x128xf32, #tpu.memory_space<vmem>>, vector<1x16xf32>,
    %swap3A_120 = vector.shape_cast %swap3A_119 : vector<1x16xf32> to vector<16xf32>
    %swap3A_121 = vector.shape_cast %get3A_115 : vector<16xf32> to vector<1x16xf32>
    tpu.vector_store %arg13[%swap3A_117, %swap3A_118], %swap3A_121 {strides = array<i32>} : memref<8x128xf32, #tpu.memory_space<vmem>>, vector<1x16xf32>,
    %get3A_122 = arith.constant 128 : index
    %get3A_123 = tpu.vector_load %arg12[%get3A_122] {strides = array<i32>} : memref<640xf32, #tpu.memory_space<vmem>>, vector<16xf32>,
    %get3A_124 = vector.shape_cast %get3A_123 : vector<16xf32> to vector<16xf32>
    %swap3A_125 = arith.constant 1 : i32
    %swap3A_126 = arith.index_cast %swap3A_125 : i32 to index
    %swap3A_127 = arith.constant 0 : index
    %swap3A_128 = tpu.vector_load %arg13[%swap3A_126, %swap3A_127] {strides = array<i32>} : memref<8x128xf32, #tpu.memory_space<vmem>>, vector<1x16xf32>,
    %swap3A_129 = vector.shape_cast %swap3A_128 : vector<1x16xf32> to vector<16xf32>
    %swap3A_130 = vector.shape_cast %get3A_124 : vector<16xf32> to vector<1x16xf32>
    tpu.vector_store %arg13[%swap3A_126, %swap3A_127], %swap3A_130 {strides = array<i32>} : memref<8x128xf32, #tpu.memory_space<vmem>>, vector<1x16xf32>,
    %get3A_131 = arith.constant 144 : index
    %get3A_132 = tpu.vector_load %arg12[%get3A_131] {strides = array<i32>} : memref<640xf32, #tpu.memory_space<vmem>>, vector<16xf32>,
    %get3A_133 = vector.shape_cast %get3A_132 : vector<16xf32> to vector<16xf32>
    %swap3A_134 = arith.constant 1 : i32
    %swap3A_135 = arith.index_cast %swap3A_134 : i32 to index
    %swap3A_136 = arith.constant 16 : index
    %swap3A_137 = tpu.vector_load %arg13[%swap3A_135, %swap3A_136] {strides = array<i32>} : memref<8x128xf32, #tpu.memory_space<vmem>>, vector<1x16xf32>,
    %swap3A_138 = vector.shape_cast %swap3A_137 : vector<1x16xf32> to vector<16xf32>
    %swap3A_139 = vector.shape_cast %get3A_133 : vector<16xf32> to vector<1x16xf32>
    tpu.vector_store %arg13[%swap3A_135, %swap3A_136], %swap3A_139 {strides = array<i32>} : memref<8x128xf32, #tpu.memory_space<vmem>>, vector<1x16xf32>,
    %get3A_140 = arith.constant 160 : index
    %get3A_141 = tpu.vector_load %arg12[%get3A_140] {strides = array<i32>} : memref<640xf32, #tpu.memory_space<vmem>>, vector<16xf32>,
    %get3A_142 = vector.shape_cast %get3A_141 : vector<16xf32> to vector<16xf32>
    %swap3A_143 = arith.constant 1 : i32
    %swap3A_144 = arith.index_cast %swap3A_143 : i32 to index
    %swap3A_145 = arith.constant 32 : index
    %swap3A_146 = tpu.vector_load %arg13[%swap3A_144, %swap3A_145] {strides = array<i32>} : memref<8x128xf32, #tpu.memory_space<vmem>>, vector<1x16xf32>,
    %swap3A_147 = vector.shape_cast %swap3A_146 : vector<1x16xf32> to vector<16xf32>
    %swap3A_148 = vector.shape_cast %get3A_142 : vector<16xf32> to vector<1x16xf32>
    tpu.vector_store %arg13[%swap3A_144, %swap3A_145], %swap3A_148 {strides = array<i32>} : memref<8x128xf32, #tpu.memory_space<vmem>>, vector<1x16xf32>,
    %get3A_149 = arith.constant 176 : index
    %get3A_150 = tpu.vector_load %arg12[%get3A_149] {strides = array<i32>} : memref<640xf32, #tpu.memory_space<vmem>>, vector<16xf32>,
    %get3A_151 = vector.shape_cast %get3A_150 : vector<16xf32> to vector<16xf32>
    %swap3A_152 = arith.constant 1 : i32
    %swap3A_153 = arith.index_cast %swap3A_152 : i32 to index
    %swap3A_154 = arith.constant 48 : index
    %swap3A_155 = tpu.vector_load %arg13[%swap3A_153, %swap3A_154] {strides = array<i32>} : memref<8x128xf32, #tpu.memory_space<vmem>>, vector<1x16xf32>,
    %swap3A_156 = vector.shape_cast %swap3A_155 : vector<1x16xf32> to vector<16xf32>
    %swap3A_157 = vector.shape_cast %get3A_151 : vector<16xf32> to vector<1x16xf32>
    tpu.vector_store %arg13[%swap3A_153, %swap3A_154], %swap3A_157 {strides = array<i32>} : memref<8x128xf32, #tpu.memory_space<vmem>>, vector<1x16xf32>,
    %get3A_158 = arith.constant 192 : index
    %get3A_159 = tpu.vector_load %arg12[%get3A_158] {strides = array<i32>} : memref<640xf32, #tpu.memory_space<vmem>>, vector<16xf32>,
    %get3A_160 = vector.shape_cast %get3A_159 : vector<16xf32> to vector<16xf32>
    %swap3A_161 = arith.constant 1 : i32
    %swap3A_162 = arith.index_cast %swap3A_161 : i32 to index
    %swap3A_163 = arith.constant 64 : index
    %swap3A_164 = tpu.vector_load %arg13[%swap3A_162, %swap3A_163] {strides = array<i32>} : memref<8x128xf32, #tpu.memory_space<vmem>>, vector<1x16xf32>,
    %swap3A_165 = vector.shape_cast %swap3A_164 : vector<1x16xf32> to vector<16xf32>
    %swap3A_166 = vector.shape_cast %get3A_160 : vector<16xf32> to vector<1x16xf32>
    tpu.vector_store %arg13[%swap3A_162, %swap3A_163], %swap3A_166 {strides = array<i32>} : memref<8x128xf32, #tpu.memory_space<vmem>>, vector<1x16xf32>,
    %get3A_167 = arith.constant 208 : index
    %get3A_168 = tpu.vector_load %arg12[%get3A_167] {strides = array<i32>} : memref<640xf32, #tpu.memory_space<vmem>>, vector<16xf32>,
    %get3A_169 = vector.shape_cast %get3A_168 : vector<16xf32> to vector<16xf32>
    %swap3A_170 = arith.constant 1 : i32
    %swap3A_171 = arith.index_cast %swap3A_170 : i32 to index
    %swap3A_172 = arith.constant 80 : index
    %swap3A_173 = tpu.vector_load %arg13[%swap3A_171, %swap3A_172] {strides = array<i32>} : memref<8x128xf32, #tpu.memory_space<vmem>>, vector<1x16xf32>,
    %swap3A_174 = vector.shape_cast %swap3A_173 : vector<1x16xf32> to vector<16xf32>
    %swap3A_175 = vector.shape_cast %get3A_169 : vector<16xf32> to vector<1x16xf32>
    tpu.vector_store %arg13[%swap3A_171, %swap3A_172], %swap3A_175 {strides = array<i32>} : memref<8x128xf32, #tpu.memory_space<vmem>>, vector<1x16xf32>,
    %get3A_176 = arith.constant 224 : index
    %get3A_177 = tpu.vector_load %arg12[%get3A_176] {strides = array<i32>} : memref<640xf32, #tpu.memory_space<vmem>>, vector<16xf32>,
    %get3A_178 = vector.shape_cast %get3A_177 : vector<16xf32> to vector<16xf32>
    %swap3A_179 = arith.constant 1 : i32
    %swap3A_180 = arith.index_cast %swap3A_179 : i32 to index
    %swap3A_181 = arith.constant 96 : index
    %swap3A_182 = tpu.vector_load %arg13[%swap3A_180, %swap3A_181] {strides = array<i32>} : memref<8x128xf32, #tpu.memory_space<vmem>>, vector<1x16xf32>,
    %swap3A_183 = vector.shape_cast %swap3A_182 : vector<1x16xf32> to vector<16xf32>
    %swap3A_184 = vector.shape_cast %get3A_178 : vector<16xf32> to vector<1x16xf32>
    tpu.vector_store %arg13[%swap3A_180, %swap3A_181], %swap3A_184 {strides = array<i32>} : memref<8x128xf32, #tpu.memory_space<vmem>>, vector<1x16xf32>,
    %get3A_185 = arith.constant 240 : index
    %get3A_186 = tpu.vector_load %arg12[%get3A_185] {strides = array<i32>} : memref<640xf32, #tpu.memory_space<vmem>>, vector<16xf32>,
    %get3A_187 = vector.shape_cast %get3A_186 : vector<16xf32> to vector<16xf32>
    %swap3A_188 = arith.constant 1 : i32
    %swap3A_189 = arith.index_cast %swap3A_188 : i32 to index
    %swap3A_190 = arith.constant 112 : index
    %swap3A_191 = tpu.vector_load %arg13[%swap3A_189, %swap3A_190] {strides = array<i32>} : memref<8x128xf32, #tpu.memory_space<vmem>>, vector<1x16xf32>,
    %swap3A_192 = vector.shape_cast %swap3A_191 : vector<1x16xf32> to vector<16xf32>
    %swap3A_193 = vector.shape_cast %get3A_187 : vector<16xf32> to vector<1x16xf32>
    tpu.vector_store %arg13[%swap3A_189, %swap3A_190], %swap3A_193 {strides = array<i32>} : memref<8x128xf32, #tpu.memory_space<vmem>>, vector<1x16xf32>,
    %get3A_194 = arith.constant 256 : index
    %get3A_195 = tpu.vector_load %arg12[%get3A_194] {strides = array<i32>} : memref<640xf32, #tpu.memory_space<vmem>>, vector<16xf32>,
    %get3A_196 = vector.shape_cast %get3A_195 : vector<16xf32> to vector<16xf32>
    %swap3A_197 = arith.constant 2 : i32
    %swap3A_198 = arith.index_cast %swap3A_197 : i32 to index
    %swap3A_199 = arith.constant 0 : index
    %swap3A_200 = tpu.vector_load %arg13[%swap3A_198, %swap3A_199] {strides = array<i32>} : memref<8x128xf32, #tpu.memory_space<vmem>>, vector<1x16xf32>,
    %swap3A_201 = vector.shape_cast %swap3A_200 : vector<1x16xf32> to vector<16xf32>
    %swap3A_202 = vector.shape_cast %get3A_196 : vector<16xf32> to vector<1x16xf32>
    tpu.vector_store %arg13[%swap3A_198, %swap3A_199], %swap3A_202 {strides = array<i32>} : memref<8x128xf32, #tpu.memory_space<vmem>>, vector<1x16xf32>,
    %get3A_203 = arith.constant 272 : index
    %get3A_204 = tpu.vector_load %arg12[%get3A_203] {strides = array<i32>} : memref<640xf32, #tpu.memory_space<vmem>>, vector<16xf32>,
    %get3A_205 = vector.shape_cast %get3A_204 : vector<16xf32> to vector<16xf32>
    %swap3A_206 = arith.constant 2 : i32
    %swap3A_207 = arith.index_cast %swap3A_206 : i32 to index
    %swap3A_208 = arith.constant 16 : index
    %swap3A_209 = tpu.vector_load %arg13[%swap3A_207, %swap3A_208] {strides = array<i32>} : memref<8x128xf32, #tpu.memory_space<vmem>>, vector<1x16xf32>,
    %swap3A_210 = vector.shape_cast %swap3A_209 : vector<1x16xf32> to vector<16xf32>
    %swap3A_211 = vector.shape_cast %get3A_205 : vector<16xf32> to vector<1x16xf32>
    tpu.vector_store %arg13[%swap3A_207, %swap3A_208], %swap3A_211 {strides = array<i32>} : memref<8x128xf32, #tpu.memory_space<vmem>>, vector<1x16xf32>,
    %get3A_212 = arith.constant 288 : index
    %get3A_213 = tpu.vector_load %arg12[%get3A_212] {strides = array<i32>} : memref<640xf32, #tpu.memory_space<vmem>>, vector<16xf32>,
    %get3A_214 = vector.shape_cast %get3A_213 : vector<16xf32> to vector<16xf32>
    %swap3A_215 = arith.constant 2 : i32
    %swap3A_216 = arith.index_cast %swap3A_215 : i32 to index
    %swap3A_217 = arith.constant 32 : index
    %swap3A_218 = tpu.vector_load %arg13[%swap3A_216, %swap3A_217] {strides = array<i32>} : memref<8x128xf32, #tpu.memory_space<vmem>>, vector<1x16xf32>,
    %swap3A_219 = vector.shape_cast %swap3A_218 : vector<1x16xf32> to vector<16xf32>
    %swap3A_220 = vector.shape_cast %get3A_214 : vector<16xf32> to vector<1x16xf32>
    tpu.vector_store %arg13[%swap3A_216, %swap3A_217], %swap3A_220 {strides = array<i32>} : memref<8x128xf32, #tpu.memory_space<vmem>>, vector<1x16xf32>,
    %get3A_221 = arith.constant 304 : index
    %get3A_222 = tpu.vector_load %arg12[%get3A_221] {strides = array<i32>} : memref<640xf32, #tpu.memory_space<vmem>>, vector<16xf32>,
    %get3A_223 = vector.shape_cast %get3A_222 : vector<16xf32> to vector<16xf32>
    %swap3A_224 = arith.constant 2 : i32
    %swap3A_225 = arith.index_cast %swap3A_224 : i32 to index
    %swap3A_226 = arith.constant 48 : index
    %swap3A_227 = tpu.vector_load %arg13[%swap3A_225, %swap3A_226] {strides = array<i32>} : memref<8x128xf32, #tpu.memory_space<vmem>>, vector<1x16xf32>,
    %swap3A_228 = vector.shape_cast %swap3A_227 : vector<1x16xf32> to vector<16xf32>
    %swap3A_229 = vector.shape_cast %get3A_223 : vector<16xf32> to vector<1x16xf32>
    tpu.vector_store %arg13[%swap3A_225, %swap3A_226], %swap3A_229 {strides = array<i32>} : memref<8x128xf32, #tpu.memory_space<vmem>>, vector<1x16xf32>,
    %get3A_230 = arith.constant 320 : index
    %get3A_231 = tpu.vector_load %arg12[%get3A_230] {strides = array<i32>} : memref<640xf32, #tpu.memory_space<vmem>>, vector<16xf32>,
    %get3A_232 = vector.shape_cast %get3A_231 : vector<16xf32> to vector<16xf32>
    %swap3A_233 = arith.constant 2 : i32
    %swap3A_234 = arith.index_cast %swap3A_233 : i32 to index
    %swap3A_235 = arith.constant 64 : index
    %swap3A_236 = tpu.vector_load %arg13[%swap3A_234, %swap3A_235] {strides = array<i32>} : memref<8x128xf32, #tpu.memory_space<vmem>>, vector<1x16xf32>,
    %swap3A_237 = vector.shape_cast %swap3A_236 : vector<1x16xf32> to vector<16xf32>
    %swap3A_238 = vector.shape_cast %get3A_232 : vector<16xf32> to vector<1x16xf32>
    tpu.vector_store %arg13[%swap3A_234, %swap3A_235], %swap3A_238 {strides = array<i32>} : memref<8x128xf32, #tpu.memory_space<vmem>>, vector<1x16xf32>,
    %get3A_239 = arith.constant 336 : index
    %get3A_240 = tpu.vector_load %arg12[%get3A_239] {strides = array<i32>} : memref<640xf32, #tpu.memory_space<vmem>>, vector<16xf32>,
    %get3A_241 = vector.shape_cast %get3A_240 : vector<16xf32> to vector<16xf32>
    %swap3A_242 = arith.constant 2 : i32
    %swap3A_243 = arith.index_cast %swap3A_242 : i32 to index
    %swap3A_244 = arith.constant 80 : index
    %swap3A_245 = tpu.vector_load %arg13[%swap3A_243, %swap3A_244] {strides = array<i32>} : memref<8x128xf32, #tpu.memory_space<vmem>>, vector<1x16xf32>,
    %swap3A_246 = vector.shape_cast %swap3A_245 : vector<1x16xf32> to vector<16xf32>
    %swap3A_247 = vector.shape_cast %get3A_241 : vector<16xf32> to vector<1x16xf32>
    tpu.vector_store %arg13[%swap3A_243, %swap3A_244], %swap3A_247 {strides = array<i32>} : memref<8x128xf32, #tpu.memory_space<vmem>>, vector<1x16xf32>,
    %get3A_248 = arith.constant 352 : index
    %get3A_249 = tpu.vector_load %arg12[%get3A_248] {strides = array<i32>} : memref<640xf32, #tpu.memory_space<vmem>>, vector<16xf32>,
    %get3A_250 = vector.shape_cast %get3A_249 : vector<16xf32> to vector<16xf32>
    %swap3A_251 = arith.constant 2 : i32
    %swap3A_252 = arith.index_cast %swap3A_251 : i32 to index
    %swap3A_253 = arith.constant 96 : index
    %swap3A_254 = tpu.vector_load %arg13[%swap3A_252, %swap3A_253] {strides = array<i32>} : memref<8x128xf32, #tpu.memory_space<vmem>>, vector<1x16xf32>,
    %swap3A_255 = vector.shape_cast %swap3A_254 : vector<1x16xf32> to vector<16xf32>
    %swap3A_256 = vector.shape_cast %get3A_250 : vector<16xf32> to vector<1x16xf32>
    tpu.vector_store %arg13[%swap3A_252, %swap3A_253], %swap3A_256 {strides = array<i32>} : memref<8x128xf32, #tpu.memory_space<vmem>>, vector<1x16xf32>,
    %get3A_257 = arith.constant 368 : index
    %get3A_258 = tpu.vector_load %arg12[%get3A_257] {strides = array<i32>} : memref<640xf32, #tpu.memory_space<vmem>>, vector<16xf32>,
    %get3A_259 = vector.shape_cast %get3A_258 : vector<16xf32> to vector<16xf32>
    %swap3A_260 = arith.constant 2 : i32
    %swap3A_261 = arith.index_cast %swap3A_260 : i32 to index
    %swap3A_262 = arith.constant 112 : index
    %swap3A_263 = tpu.vector_load %arg13[%swap3A_261, %swap3A_262] {strides = array<i32>} : memref<8x128xf32, #tpu.memory_space<vmem>>, vector<1x16xf32>,
    %swap3A_264 = vector.shape_cast %swap3A_263 : vector<1x16xf32> to vector<16xf32>
    %swap3A_265 = vector.shape_cast %get3A_259 : vector<16xf32> to vector<1x16xf32>
    tpu.vector_store %arg13[%swap3A_261, %swap3A_262], %swap3A_265 {strides = array<i32>} : memref<8x128xf32, #tpu.memory_space<vmem>>, vector<1x16xf32>,
    %get3A_266 = arith.constant 384 : index
    %get3A_267 = tpu.vector_load %arg12[%get3A_266] {strides = array<i32>} : memref<640xf32, #tpu.memory_space<vmem>>, vector<16xf32>,
    %get3A_268 = vector.shape_cast %get3A_267 : vector<16xf32> to vector<16xf32>
    %swap3A_269 = arith.constant 3 : i32
    %swap3A_270 = arith.index_cast %swap3A_269 : i32 to index
    %swap3A_271 = arith.constant 0 : index
    %swap3A_272 = tpu.vector_load %arg13[%swap3A_270, %swap3A_271] {strides = array<i32>} : memref<8x128xf32, #tpu.memory_space<vmem>>, vector<1x16xf32>,
    %swap3A_273 = vector.shape_cast %swap3A_272 : vector<1x16xf32> to vector<16xf32>
    %swap3A_274 = vector.shape_cast %get3A_268 : vector<16xf32> to vector<1x16xf32>
    tpu.vector_store %arg13[%swap3A_270, %swap3A_271], %swap3A_274 {strides = array<i32>} : memref<8x128xf32, #tpu.memory_space<vmem>>, vector<1x16xf32>,
    %get3A_275 = arith.constant 400 : index
    %get3A_276 = tpu.vector_load %arg12[%get3A_275] {strides = array<i32>} : memref<640xf32, #tpu.memory_space<vmem>>, vector<16xf32>,
    %get3A_277 = vector.shape_cast %get3A_276 : vector<16xf32> to vector<16xf32>
    %swap3A_278 = arith.constant 3 : i32
    %swap3A_279 = arith.index_cast %swap3A_278 : i32 to index
    %swap3A_280 = arith.constant 16 : index
    %swap3A_281 = tpu.vector_load %arg13[%swap3A_279, %swap3A_280] {strides = array<i32>} : memref<8x128xf32, #tpu.memory_space<vmem>>, vector<1x16xf32>,
    %swap3A_282 = vector.shape_cast %swap3A_281 : vector<1x16xf32> to vector<16xf32>
    %swap3A_283 = vector.shape_cast %get3A_277 : vector<16xf32> to vector<1x16xf32>
    tpu.vector_store %arg13[%swap3A_279, %swap3A_280], %swap3A_283 {strides = array<i32>} : memref<8x128xf32, #tpu.memory_space<vmem>>, vector<1x16xf32>,
    %get3A_284 = arith.constant 416 : index
    %get3A_285 = tpu.vector_load %arg12[%get3A_284] {strides = array<i32>} : memref<640xf32, #tpu.memory_space<vmem>>, vector<16xf32>,
    %get3A_286 = vector.shape_cast %get3A_285 : vector<16xf32> to vector<16xf32>
    %swap3A_287 = arith.constant 3 : i32
    %swap3A_288 = arith.index_cast %swap3A_287 : i32 to index
    %swap3A_289 = arith.constant 32 : index
    %swap3A_290 = tpu.vector_load %arg13[%swap3A_288, %swap3A_289] {strides = array<i32>} : memref<8x128xf32, #tpu.memory_space<vmem>>, vector<1x16xf32>,
    %swap3A_291 = vector.shape_cast %swap3A_290 : vector<1x16xf32> to vector<16xf32>
    %swap3A_292 = vector.shape_cast %get3A_286 : vector<16xf32> to vector<1x16xf32>
    tpu.vector_store %arg13[%swap3A_288, %swap3A_289], %swap3A_292 {strides = array<i32>} : memref<8x128xf32, #tpu.memory_space<vmem>>, vector<1x16xf32>,
    %get3A_293 = arith.constant 432 : index
    %get3A_294 = tpu.vector_load %arg12[%get3A_293] {strides = array<i32>} : memref<640xf32, #tpu.memory_space<vmem>>, vector<16xf32>,
    %get3A_295 = vector.shape_cast %get3A_294 : vector<16xf32> to vector<16xf32>
    %swap3A_296 = arith.constant 3 : i32
    %swap3A_297 = arith.index_cast %swap3A_296 : i32 to index
    %swap3A_298 = arith.constant 48 : index
    %swap3A_299 = tpu.vector_load %arg13[%swap3A_297, %swap3A_298] {strides = array<i32>} : memref<8x128xf32, #tpu.memory_space<vmem>>, vector<1x16xf32>,
    %swap3A_300 = vector.shape_cast %swap3A_299 : vector<1x16xf32> to vector<16xf32>
    %swap3A_301 = vector.shape_cast %get3A_295 : vector<16xf32> to vector<1x16xf32>
    tpu.vector_store %arg13[%swap3A_297, %swap3A_298], %swap3A_301 {strides = array<i32>} : memref<8x128xf32, #tpu.memory_space<vmem>>, vector<1x16xf32>,
    %get3A_302 = arith.constant 448 : index
    %get3A_303 = tpu.vector_load %arg12[%get3A_302] {strides = array<i32>} : memref<640xf32, #tpu.memory_space<vmem>>, vector<16xf32>,
    %get3A_304 = vector.shape_cast %get3A_303 : vector<16xf32> to vector<16xf32>
    %swap3A_305 = arith.constant 3 : i32
    %swap3A_306 = arith.index_cast %swap3A_305 : i32 to index
    %swap3A_307 = arith.constant 64 : index
    %swap3A_308 = tpu.vector_load %arg13[%swap3A_306, %swap3A_307] {strides = array<i32>} : memref<8x128xf32, #tpu.memory_space<vmem>>, vector<1x16xf32>,
    %swap3A_309 = vector.shape_cast %swap3A_308 : vector<1x16xf32> to vector<16xf32>
    %swap3A_310 = vector.shape_cast %get3A_304 : vector<16xf32> to vector<1x16xf32>
    tpu.vector_store %arg13[%swap3A_306, %swap3A_307], %swap3A_310 {strides = array<i32>} : memref<8x128xf32, #tpu.memory_space<vmem>>, vector<1x16xf32>,
    %get3A_311 = arith.constant 464 : index
    %get3A_312 = tpu.vector_load %arg12[%get3A_311] {strides = array<i32>} : memref<640xf32, #tpu.memory_space<vmem>>, vector<16xf32>,
    %get3A_313 = vector.shape_cast %get3A_312 : vector<16xf32> to vector<16xf32>
    %swap3A_314 = arith.constant 3 : i32
    %swap3A_315 = arith.index_cast %swap3A_314 : i32 to index
    %swap3A_316 = arith.constant 80 : index
    %swap3A_317 = tpu.vector_load %arg13[%swap3A_315, %swap3A_316] {strides = array<i32>} : memref<8x128xf32, #tpu.memory_space<vmem>>, vector<1x16xf32>,
    %swap3A_318 = vector.shape_cast %swap3A_317 : vector<1x16xf32> to vector<16xf32>
    %swap3A_319 = vector.shape_cast %get3A_313 : vector<16xf32> to vector<1x16xf32>
    tpu.vector_store %arg13[%swap3A_315, %swap3A_316], %swap3A_319 {strides = array<i32>} : memref<8x128xf32, #tpu.memory_space<vmem>>, vector<1x16xf32>,
    %get3A_320 = arith.constant 480 : index
    %get3A_321 = tpu.vector_load %arg12[%get3A_320] {strides = array<i32>} : memref<640xf32, #tpu.memory_space<vmem>>, vector<16xf32>,
    %get3A_322 = vector.shape_cast %get3A_321 : vector<16xf32> to vector<16xf32>
    %swap3A_323 = arith.constant 3 : i32
    %swap3A_324 = arith.index_cast %swap3A_323 : i32 to index
    %swap3A_325 = arith.constant 96 : index
    %swap3A_326 = tpu.vector_load %arg13[%swap3A_324, %swap3A_325] {strides = array<i32>} : memref<8x128xf32, #tpu.memory_space<vmem>>, vector<1x16xf32>,
    %swap3A_327 = vector.shape_cast %swap3A_326 : vector<1x16xf32> to vector<16xf32>
    %swap3A_328 = vector.shape_cast %get3A_322 : vector<16xf32> to vector<1x16xf32>
    tpu.vector_store %arg13[%swap3A_324, %swap3A_325], %swap3A_328 {strides = array<i32>} : memref<8x128xf32, #tpu.memory_space<vmem>>, vector<1x16xf32>,
    %get3A_329 = arith.constant 496 : index
    %get3A_330 = tpu.vector_load %arg12[%get3A_329] {strides = array<i32>} : memref<640xf32, #tpu.memory_space<vmem>>, vector<16xf32>,
    %get3A_331 = vector.shape_cast %get3A_330 : vector<16xf32> to vector<16xf32>
    %swap3A_332 = arith.constant 3 : i32
    %swap3A_333 = arith.index_cast %swap3A_332 : i32 to index
    %swap3A_334 = arith.constant 112 : index
    %swap3A_335 = tpu.vector_load %arg13[%swap3A_333, %swap3A_334] {strides = array<i32>} : memref<8x128xf32, #tpu.memory_space<vmem>>, vector<1x16xf32>,
    %swap3A_336 = vector.shape_cast %swap3A_335 : vector<1x16xf32> to vector<16xf32>
    %swap3A_337 = vector.shape_cast %get3A_331 : vector<16xf32> to vector<1x16xf32>
    tpu.vector_store %arg13[%swap3A_333, %swap3A_334], %swap3A_337 {strides = array<i32>} : memref<8x128xf32, #tpu.memory_space<vmem>>, vector<1x16xf32>,
    %get3A_338 = arith.constant 512 : index
    %get3A_339 = tpu.vector_load %arg12[%get3A_338] {strides = array<i32>} : memref<640xf32, #tpu.memory_space<vmem>>, vector<16xf32>,
    %get3A_340 = vector.shape_cast %get3A_339 : vector<16xf32> to vector<16xf32>
    %swap3A_341 = arith.constant 4 : i32
    %swap3A_342 = arith.index_cast %swap3A_341 : i32 to index
    %swap3A_343 = arith.constant 0 : index
    %swap3A_344 = tpu.vector_load %arg13[%swap3A_342, %swap3A_343] {strides = array<i32>} : memref<8x128xf32, #tpu.memory_space<vmem>>, vector<1x16xf32>,
    %swap3A_345 = vector.shape_cast %swap3A_344 : vector<1x16xf32> to vector<16xf32>
    %swap3A_346 = vector.shape_cast %get3A_340 : vector<16xf32> to vector<1x16xf32>
    tpu.vector_store %arg13[%swap3A_342, %swap3A_343], %swap3A_346 {strides = array<i32>} : memref<8x128xf32, #tpu.memory_space<vmem>>, vector<1x16xf32>,
    %get3A_347 = arith.constant 528 : index
    %get3A_348 = tpu.vector_load %arg12[%get3A_347] {strides = array<i32>} : memref<640xf32, #tpu.memory_space<vmem>>, vector<16xf32>,
    %get3A_349 = vector.shape_cast %get3A_348 : vector<16xf32> to vector<16xf32>
    %swap3A_350 = arith.constant 4 : i32
    %swap3A_351 = arith.index_cast %swap3A_350 : i32 to index
    %swap3A_352 = arith.constant 16 : index
    %swap3A_353 = tpu.vector_load %arg13[%swap3A_351, %swap3A_352] {strides = array<i32>} : memref<8x128xf32, #tpu.memory_space<vmem>>, vector<1x16xf32>,
    %swap3A_354 = vector.shape_cast %swap3A_353 : vector<1x16xf32> to vector<16xf32>
    %swap3A_355 = vector.shape_cast %get3A_349 : vector<16xf32> to vector<1x16xf32>
    tpu.vector_store %arg13[%swap3A_351, %swap3A_352], %swap3A_355 {strides = array<i32>} : memref<8x128xf32, #tpu.memory_space<vmem>>, vector<1x16xf32>,
    %get3A_356 = arith.constant 544 : index
    %get3A_357 = tpu.vector_load %arg12[%get3A_356] {strides = array<i32>} : memref<640xf32, #tpu.memory_space<vmem>>, vector<16xf32>,
    %get3A_358 = vector.shape_cast %get3A_357 : vector<16xf32> to vector<16xf32>
    %swap3A_359 = arith.constant 4 : i32
    %swap3A_360 = arith.index_cast %swap3A_359 : i32 to index
    %swap3A_361 = arith.constant 32 : index
    %swap3A_362 = tpu.vector_load %arg13[%swap3A_360, %swap3A_361] {strides = array<i32>} : memref<8x128xf32, #tpu.memory_space<vmem>>, vector<1x16xf32>,
    %swap3A_363 = vector.shape_cast %swap3A_362 : vector<1x16xf32> to vector<16xf32>
    %swap3A_364 = vector.shape_cast %get3A_358 : vector<16xf32> to vector<1x16xf32>
    tpu.vector_store %arg13[%swap3A_360, %swap3A_361], %swap3A_364 {strides = array<i32>} : memref<8x128xf32, #tpu.memory_space<vmem>>, vector<1x16xf32>,
    %get3A_365 = arith.constant 560 : index
    %get3A_366 = tpu.vector_load %arg12[%get3A_365] {strides = array<i32>} : memref<640xf32, #tpu.memory_space<vmem>>, vector<16xf32>,
    %get3A_367 = vector.shape_cast %get3A_366 : vector<16xf32> to vector<16xf32>
    %swap3A_368 = arith.constant 4 : i32
    %swap3A_369 = arith.index_cast %swap3A_368 : i32 to index
    %swap3A_370 = arith.constant 48 : index
    %swap3A_371 = tpu.vector_load %arg13[%swap3A_369, %swap3A_370] {strides = array<i32>} : memref<8x128xf32, #tpu.memory_space<vmem>>, vector<1x16xf32>,
    %swap3A_372 = vector.shape_cast %swap3A_371 : vector<1x16xf32> to vector<16xf32>
    %swap3A_373 = vector.shape_cast %get3A_367 : vector<16xf32> to vector<1x16xf32>
    tpu.vector_store %arg13[%swap3A_369, %swap3A_370], %swap3A_373 {strides = array<i32>} : memref<8x128xf32, #tpu.memory_space<vmem>>, vector<1x16xf32>,
    %get3A_374 = arith.constant 576 : index
    %get3A_375 = tpu.vector_load %arg12[%get3A_374] {strides = array<i32>} : memref<640xf32, #tpu.memory_space<vmem>>, vector<16xf32>,
    %get3A_376 = vector.shape_cast %get3A_375 : vector<16xf32> to vector<16xf32>
    %swap3A_377 = arith.constant 4 : i32
    %swap3A_378 = arith.index_cast %swap3A_377 : i32 to index
    %swap3A_379 = arith.constant 64 : index
    %swap3A_380 = tpu.vector_load %arg13[%swap3A_378, %swap3A_379] {strides = array<i32>} : memref<8x128xf32, #tpu.memory_space<vmem>>, vector<1x16xf32>,
    %swap3A_381 = vector.shape_cast %swap3A_380 : vector<1x16xf32> to vector<16xf32>
    %swap3A_382 = vector.shape_cast %get3A_376 : vector<16xf32> to vector<1x16xf32>
    tpu.vector_store %arg13[%swap3A_378, %swap3A_379], %swap3A_382 {strides = array<i32>} : memref<8x128xf32, #tpu.memory_space<vmem>>, vector<1x16xf32>,
    %get3A_383 = arith.constant 592 : index
    %get3A_384 = tpu.vector_load %arg12[%get3A_383] {strides = array<i32>} : memref<640xf32, #tpu.memory_space<vmem>>, vector<16xf32>,
    %get3A_385 = vector.shape_cast %get3A_384 : vector<16xf32> to vector<16xf32>
    %swap3A_386 = arith.constant 4 : i32
    %swap3A_387 = arith.index_cast %swap3A_386 : i32 to index
    %swap3A_388 = arith.constant 80 : index
    %swap3A_389 = tpu.vector_load %arg13[%swap3A_387, %swap3A_388] {strides = array<i32>} : memref<8x128xf32, #tpu.memory_space<vmem>>, vector<1x16xf32>,
    %swap3A_390 = vector.shape_cast %swap3A_389 : vector<1x16xf32> to vector<16xf32>
    %swap3A_391 = vector.shape_cast %get3A_385 : vector<16xf32> to vector<1x16xf32>
    tpu.vector_store %arg13[%swap3A_387, %swap3A_388], %swap3A_391 {strides = array<i32>} : memref<8x128xf32, #tpu.memory_space<vmem>>, vector<1x16xf32>,
    %get3A_392 = arith.constant 608 : index
    %get3A_393 = tpu.vector_load %arg12[%get3A_392] {strides = array<i32>} : memref<640xf32, #tpu.memory_space<vmem>>, vector<16xf32>,
    %get3A_394 = vector.shape_cast %get3A_393 : vector<16xf32> to vector<16xf32>
    %swap3A_395 = arith.constant 4 : i32
    %swap3A_396 = arith.index_cast %swap3A_395 : i32 to index
    %swap3A_397 = arith.constant 96 : index
    %swap3A_398 = tpu.vector_load %arg13[%swap3A_396, %swap3A_397] {strides = array<i32>} : memref<8x128xf32, #tpu.memory_space<vmem>>, vector<1x16xf32>,
    %swap3A_399 = vector.shape_cast %swap3A_398 : vector<1x16xf32> to vector<16xf32>
    %swap3A_400 = vector.shape_cast %get3A_394 : vector<16xf32> to vector<1x16xf32>
    tpu.vector_store %arg13[%swap3A_396, %swap3A_397], %swap3A_400 {strides = array<i32>} : memref<8x128xf32, #tpu.memory_space<vmem>>, vector<1x16xf32>,
    %get3A_401 = arith.constant 624 : index
    %get3A_402 = tpu.vector_load %arg12[%get3A_401] {strides = array<i32>} : memref<640xf32, #tpu.memory_space<vmem>>, vector<16xf32>,
    %get3A_403 = vector.shape_cast %get3A_402 : vector<16xf32> to vector<16xf32>
    %swap3A_404 = arith.constant 4 : i32
    %swap3A_405 = arith.index_cast %swap3A_404 : i32 to index
    %swap3A_406 = arith.constant 112 : index
    %swap3A_407 = tpu.vector_load %arg13[%swap3A_405, %swap3A_406] {strides = array<i32>} : memref<8x128xf32, #tpu.memory_space<vmem>>, vector<1x16xf32>,
    %swap3A_408 = vector.shape_cast %swap3A_407 : vector<1x16xf32> to vector<16xf32>
    %swap3A_409 = vector.shape_cast %get3A_403 : vector<16xf32> to vector<1x16xf32>
    tpu.vector_store %arg13[%swap3A_405, %swap3A_406], %swap3A_409 {strides = array<i32>} : memref<8x128xf32, #tpu.memory_space<vmem>>, vector<1x16xf32>,
    %mul3A_410 = arith.constant 8 : i32
    %mul3A_411 = arith.muli %arg1, %mul3A_410 : i32
    %add3A_412 = arith.constant 10000 : i32
    %add3A_413 = arith.addi %add3A_412, %mul3A_411 : i32
    "tpu.region"() ({
      %run_scoped3A = tpu.sem_alloc : memref<!tpu.dma_semaphore, #tpu.memory_space<semaphore_mem>>
      %dma_start3A = arith.constant 0 : i32
      %dma_start3A_431 = tpu.memref_slice %arg6[%add3A_413, %dma_start3A] : memref<10128x128xf32, #tpu.memory_space<vmem_shared>> -> memref<8x128xf32, #tpu.memory_space<vmem_shared>>
      %dma_start3A_432 = arith.constant 0 : i32
      %dma_start3A_433 = tpu.memref_slice %arg6[%add3A_413, %dma_start3A_432] : memref<10128x128xf32, #tpu.memory_space<vmem_shared>> -> memref<8x128xf32, #tpu.memory_space<vmem_shared>>
      tpu.enqueue_dma source(%arg13 : memref<8x128xf32, #tpu.memory_space<vmem>>) target(%dma_start3A_433 : memref<8x128xf32, #tpu.memory_space<vmem_shared>>) target_semaphore(%run_scoped3A : memref<!tpu.dma_semaphore, #tpu.memory_space<semaphore_mem>>)
      %dma_wait3A = arith.constant 0 : i32
      %dma_wait3A_434 = tpu.memref_slice %arg6[%add3A_413, %dma_wait3A] : memref<10128x128xf32, #tpu.memory_space<vmem_shared>> -> memref<8x128xf32, #tpu.memory_space<vmem_shared>>
      %dma_wait3A_435 = arith.constant 0 : i32
      %dma_wait3A_436 = tpu.memref_slice %arg6[%add3A_413, %dma_wait3A_435] : memref<10128x128xf32, #tpu.memory_space<vmem_shared>> -> memref<8x128xf32, #tpu.memory_space<vmem_shared>>
      tpu.wait_dma2 semaphore(%run_scoped3A : memref<!tpu.dma_semaphore, #tpu.memory_space<semaphore_mem>>) src(%arg13 : memref<8x128xf32, #tpu.memory_space<vmem>>) dst(%dma_wait3A_436 : memref<8x128xf32, #tpu.memory_space<vmem_shared>>)
      tpu.yield
    }) : () -> ()
    %mul3A_414 = arith.constant 10128 : i32
    %mul3A_415 = arith.muli %arg0, %mul3A_414 : i32
    %add3A_416 = arith.addi %mul3A_415, %mul3A_4 : i32
    "tpu.region"() ({
      %run_scoped3A = tpu.sem_alloc : memref<!tpu.dma_semaphore, #tpu.memory_space<semaphore_mem>>
      %dma_start3A = arith.constant 0 : i32
      %dma_start3A_431 = tpu.memref_slice %arg5[%add3A_416, %dma_start3A] : memref<20256x128xf32, #tpu.memory_space<hbm>> -> memref<624x128xf32, #tpu.memory_space<hbm>>
      %dma_start3A_432 = arith.constant 0 : i32
      %dma_start3A_433 = tpu.memref_slice %arg6[%mul3A_4, %dma_start3A_432] : memref<10128x128xf32, #tpu.memory_space<vmem_shared>> -> memref<624x128xf32, #tpu.memory_space<vmem_shared>>
      tpu.enqueue_dma source(%dma_start3A_433 : memref<624x128xf32, #tpu.memory_space<vmem_shared>>) target(%dma_start3A_431 : memref<624x128xf32, #tpu.memory_space<hbm>>) target_semaphore(%run_scoped3A : memref<!tpu.dma_semaphore, #tpu.memory_space<semaphore_mem>>)
      %dma_wait3A = arith.constant 0 : i32
      %dma_wait3A_434 = tpu.memref_slice %arg5[%add3A_416, %dma_wait3A] : memref<20256x128xf32, #tpu.memory_space<hbm>> -> memref<624x128xf32, #tpu.memory_space<hbm>>
      %dma_wait3A_435 = arith.constant 0 : i32
      %dma_wait3A_436 = tpu.memref_slice %arg6[%mul3A_4, %dma_wait3A_435] : memref<10128x128xf32, #tpu.memory_space<vmem_shared>> -> memref<624x128xf32, #tpu.memory_space<vmem_shared>>
      tpu.wait_dma2 semaphore(%run_scoped3A : memref<!tpu.dma_semaphore, #tpu.memory_space<semaphore_mem>>) src(%dma_wait3A_436 : memref<624x128xf32, #tpu.memory_space<vmem_shared>>) dst(%dma_wait3A_434 : memref<624x128xf32, #tpu.memory_space<hbm>>)
      tpu.yield
    }) : () -> ()
    %eq3A_417 = arith.constant 15 : i32
    %eq3A_418 = arith.cmpi eq, %arg1, %eq3A_417 : i32
    %convert_element_type3A_419 = arith.extui %eq3A_418 : i1 to i32
    %cond3A_420 = arith.constant 0 : i32
    %cond3A_421 = arith.cmpi ne, %convert_element_type3A_419, %cond3A_420 : i32
    scf.if %cond3A_421 {
      %add3A_431 = arith.constant 9984 : i32
      %add3A_432 = arith.addi %mul3A_415, %add3A_431 : i32
      "tpu.region"() ({
        %run_scoped3A = tpu.sem_alloc : memref<!tpu.dma_semaphore, #tpu.memory_space<semaphore_mem>>
        %dma_start3A = arith.constant 0 : i32
        %dma_start3A_433 = tpu.memref_slice %arg5[%add3A_432, %dma_start3A] : memref<20256x128xf32, #tpu.memory_space<hbm>> -> memref<16x128xf32, #tpu.memory_space<hbm>>
        %dma_start3A_434 = arith.constant 9984 : i32
        %dma_start3A_435 = arith.constant 0 : i32
        %dma_start3A_436 = tpu.memref_slice %arg6[%dma_start3A_434, %dma_start3A_435] : memref<10128x128xf32, #tpu.memory_space<vmem_shared>> -> memref<16x128xf32, #tpu.memory_space<vmem_shared>>
        tpu.enqueue_dma source(%dma_start3A_436 : memref<16x128xf32, #tpu.memory_space<vmem_shared>>) target(%dma_start3A_433 : memref<16x128xf32, #tpu.memory_space<hbm>>) target_semaphore(%run_scoped3A : memref<!tpu.dma_semaphore, #tpu.memory_space<semaphore_mem>>)
        %dma_wait3A = arith.constant 0 : i32
        %dma_wait3A_437 = tpu.memref_slice %arg5[%add3A_432, %dma_wait3A] : memref<20256x128xf32, #tpu.memory_space<hbm>> -> memref<16x128xf32, #tpu.memory_space<hbm>>
        %dma_wait3A_438 = arith.constant 9984 : i32
        %dma_wait3A_439 = arith.constant 0 : i32
        %dma_wait3A_440 = tpu.memref_slice %arg6[%dma_wait3A_438, %dma_wait3A_439] : memref<10128x128xf32, #tpu.memory_space<vmem_shared>> -> memref<16x128xf32, #tpu.memory_space<vmem_shared>>
        tpu.wait_dma2 semaphore(%run_scoped3A : memref<!tpu.dma_semaphore, #tpu.memory_space<semaphore_mem>>) src(%dma_wait3A_440 : memref<16x128xf32, #tpu.memory_space<vmem_shared>>) dst(%dma_wait3A_437 : memref<16x128xf32, #tpu.memory_space<hbm>>)
        tpu.yield
      }) : () -> ()
    } else {
    }
    %mul3A_422 = arith.constant 8 : i32
    %mul3A_423 = arith.muli %arg1, %mul3A_422 : i32
    %add3A_424 = arith.constant 10000 : i32
    %add3A_425 = arith.addi %add3A_424, %mul3A_423 : i32
    %add3A_426 = arith.constant 10000 : i32
    %add3A_427 = arith.addi %mul3A_415, %add3A_426 : i32
    %mul3A_428 = arith.constant 8 : i32
    %mul3A_429 = arith.muli %arg1, %mul3A_428 : i32
    %add3A_430 = arith.addi %add3A_427, %mul3A_429 : i32
    "tpu.region"() ({
      %run_scoped3A = tpu.sem_alloc : memref<!tpu.dma_semaphore, #tpu.memory_space<semaphore_mem>>
      %dma_start3A = arith.constant 0 : i32
      %dma_start3A_431 = tpu.memref_slice %arg5[%add3A_430, %dma_start3A] : memref<20256x128xf32, #tpu.memory_space<hbm>> -> memref<8x128xf32, #tpu.memory_space<hbm>>
      %dma_start3A_432 = arith.constant 0 : i32
      %dma_start3A_433 = tpu.memref_slice %arg6[%add3A_425, %dma_start3A_432] : memref<10128x128xf32, #tpu.memory_space<vmem_shared>> -> memref<8x128xf32, #tpu.memory_space<vmem_shared>>
      tpu.enqueue_dma source(%dma_start3A_433 : memref<8x128xf32, #tpu.memory_space<vmem_shared>>) target(%dma_start3A_431 : memref<8x128xf32, #tpu.memory_space<hbm>>) target_semaphore(%run_scoped3A : memref<!tpu.dma_semaphore, #tpu.memory_space<semaphore_mem>>)
      %dma_wait3A = arith.constant 0 : i32
      %dma_wait3A_434 = tpu.memref_slice %arg5[%add3A_430, %dma_wait3A] : memref<20256x128xf32, #tpu.memory_space<hbm>> -> memref<8x128xf32, #tpu.memory_space<hbm>>
      %dma_wait3A_435 = arith.constant 0 : i32
      %dma_wait3A_436 = tpu.memref_slice %arg6[%add3A_425, %dma_wait3A_435] : memref<10128x128xf32, #tpu.memory_space<vmem_shared>> -> memref<8x128xf32, #tpu.memory_space<vmem_shared>>
      tpu.wait_dma2 semaphore(%run_scoped3A : memref<!tpu.dma_semaphore, #tpu.memory_space<semaphore_mem>>) src(%dma_wait3A_436 : memref<8x128xf32, #tpu.memory_space<vmem_shared>>) dst(%dma_wait3A_434 : memref<8x128xf32, #tpu.memory_space<hbm>>)
      tpu.yield
    }) : () -> ()
    return
  }
}

module attributes {stable_mosaic.version = 14 : i64} {
  func.func @body(%arg0: i32, %arg1: memref<1000x128xf32, #tpu.memory_space<vmem>>, %arg2: memref<1x128xf32, #tpu.memory_space<vmem>>, %arg3: memref<1x128xf32, #tpu.memory_space<vmem>>, %arg4: memref<1000x128xf32, #tpu.memory_space<vmem>>) attributes {dimension_semantics = [#tpu.dimension_semantics<arbitrary>], iteration_bounds = array<i64: 10>, scalar_prefetch = 0 : i64, scratch_operands = 0 : i64, tpu.core_type = #tpu.core_type<tc>, window_params = [{transform_indices = @transform_0, window_bounds = array<i64: 1000, 128>}, {pipeline_mode = #tpu.pipeline_mode<synchronous>, transform_indices = @transform_1, window_bounds = array<i64: 1, 128>}, {pipeline_mode = #tpu.pipeline_mode<synchronous>, transform_indices = @transform_2, window_bounds = array<i64: 1, 128>}, {transform_indices = @transform_3, window_bounds = array<i64: 1000, 128>}]} {
    %get3A = arith.constant 0 : index
    %get3A_0 = arith.constant 0 : index
    %get3A_1 = vector.load %arg1[%get3A, %get3A_0] : memref<1000x128xf32, #tpu.memory_space<vmem>>, vector<1000x128xf32>
    %reduce_sum3A = arith.constant dense<0.000000e+00> : vector<1000xf32>
    %reduce_sum3A_2 = vector.multi_reduction <add>, %get3A_1, %reduce_sum3A [1] : vector<1000x128xf32> to vector<1000xf32>
    %broadcast_in_dim3A = vector.shape_cast %reduce_sum3A_2 : vector<1000xf32> to vector<1000x1xf32>
    %div3A = arith.constant 1.280000e+02 : f32
    %div3A_3 = vector.broadcast %div3A : f32 to vector<1000x1xf32>
    %div3A_4 = arith.divf %broadcast_in_dim3A, %div3A_3 : vector<1000x1xf32>
    %sub3A = vector.broadcast %div3A_4 : vector<1000x1xf32> to vector<1000x128xf32>
    %sub3A_5 = arith.subf %get3A_1, %sub3A : vector<1000x128xf32>
    %integer_pow3A = arith.mulf %sub3A_5, %sub3A_5 : vector<1000x128xf32>
    %reduce_sum3A_6 = arith.constant dense<0.000000e+00> : vector<1000xf32>
    %reduce_sum3A_7 = vector.multi_reduction <add>, %integer_pow3A, %reduce_sum3A_6 [1] : vector<1000x128xf32> to vector<1000xf32>
    %broadcast_in_dim3A_8 = vector.shape_cast %reduce_sum3A_7 : vector<1000xf32> to vector<1000x1xf32>
    %div3A_9 = arith.constant 1.280000e+02 : f32
    %div3A_10 = vector.broadcast %div3A_9 : f32 to vector<1000x1xf32>
    %div3A_11 = arith.divf %broadcast_in_dim3A_8, %div3A_10 : vector<1000x1xf32>
    %sub3A_12 = vector.broadcast %div3A_4 : vector<1000x1xf32> to vector<1000x128xf32>
    %sub3A_13 = arith.subf %get3A_1, %sub3A_12 : vector<1000x128xf32>
    %add3A = arith.constant 9.99999974E-6 : f32
    %add3A_14 = vector.broadcast %add3A : f32 to vector<1000x1xf32>
    %add3A_15 = arith.addf %div3A_11, %add3A_14 : vector<1000x1xf32>
    %rsqrt3A = math.rsqrt %add3A_15 : vector<1000x1xf32>
    %mul3A = vector.broadcast %rsqrt3A : vector<1000x1xf32> to vector<1000x128xf32>
    %mul3A_16 = arith.mulf %sub3A_13, %mul3A : vector<1000x128xf32>
    %get3A_17 = arith.constant 0 : index
    %get3A_18 = arith.constant 0 : index
    %get3A_19 = vector.load %arg2[%get3A_17, %get3A_18] : memref<1x128xf32, #tpu.memory_space<vmem>>, vector<1x128xf32>
    %mul3A_20 = vector.broadcast %get3A_19 : vector<1x128xf32> to vector<1000x128xf32>
    %mul3A_21 = arith.mulf %mul3A_16, %mul3A_20 : vector<1000x128xf32>
    %get3A_22 = arith.constant 0 : index
    %get3A_23 = arith.constant 0 : index
    %get3A_24 = vector.load %arg3[%get3A_22, %get3A_23] : memref<1x128xf32, #tpu.memory_space<vmem>>, vector<1x128xf32>
    %add3A_25 = vector.broadcast %get3A_24 : vector<1x128xf32> to vector<1000x128xf32>
    %add3A_26 = arith.addf %mul3A_21, %add3A_25 : vector<1000x128xf32>
    %swap3A = arith.constant 0 : index
    %swap3A_27 = arith.constant 0 : index
    %swap3A_28 = vector.load %arg4[%swap3A, %swap3A_27] : memref<1000x128xf32, #tpu.memory_space<vmem>>, vector<1000x128xf32>
    tpu.vector_store %arg4[%swap3A, %swap3A_27], %add3A_26 {strides = array<i32>} : memref<1000x128xf32, #tpu.memory_space<vmem>>, vector<1000x128xf32>,
    return
  }
  func.func @transform_0(%arg0: i32) -> (i32, i32) {
    %c0_i32 = arith.constant 0 : i32
    %c0_i32_0 = arith.constant 0 : i32
    return %arg0, %c0_i32 : i32, i32
  }
  func.func @transform_1(%arg0: i32) -> (i32, i32) {
    %c0_i32 = arith.constant 0 : i32
    %c0_i32_0 = arith.constant 0 : i32
    %c0_i32_1 = arith.constant 0 : i32
    return %c0_i32, %c0_i32_0 : i32, i32
  }
  func.func @transform_2(%arg0: i32) -> (i32, i32) {
    %c0_i32 = arith.constant 0 : i32
    %c0_i32_0 = arith.constant 0 : i32
    %c0_i32_1 = arith.constant 0 : i32
    return %c0_i32, %c0_i32_0 : i32, i32
  }
  func.func @transform_3(%arg0: i32) -> (i32, i32) {
    %c0_i32 = arith.constant 0 : i32
    %c0_i32_0 = arith.constant 0 : i32
    return %arg0, %c0_i32 : i32, i32
  }
}

module attributes {stable_mosaic.version = 14 : i64} {
  func.func @body(%arg0: i32, %arg1: memref<1000x1xi32, #tpu.memory_space<vmem>>, %arg2: memref<1000x128xf32, #tpu.memory_space<vmem>>, %arg3: memref<1x1000x128xf32, #tpu.memory_space<vmem>>, %arg4: memref<1x1000x128xf32, #tpu.memory_space<vmem>>, %arg5: memref<1x1000x1xf32, #tpu.memory_space<vmem>>, %arg6: memref<1x1000x1xf32, #tpu.memory_space<vmem>>, %arg7: memref<128x128xf32, #tpu.memory_space<vmem>>, %arg8: memref<1x128xf32, #tpu.memory_space<vmem>>, %arg9: memref<128x128xf32, #tpu.memory_space<vmem>>, %arg10: memref<1x128xf32, #tpu.memory_space<vmem>>, %arg11: memref<1x128xf32, #tpu.memory_space<vmem>>, %arg12: memref<128x1xf32, #tpu.memory_space<vmem>>, %arg13: memref<1x1xf32, #tpu.memory_space<vmem>>, %arg14: memref<1000x128xf32, #tpu.memory_space<vmem>>, %arg15: memref<1000x1xf32, #tpu.memory_space<vmem>>, %arg16: memref<1x256xf32, #tpu.memory_space<vmem>>) attributes {dimension_semantics = [#tpu.dimension_semantics<arbitrary>], iteration_bounds = array<i64: 10>, scalar_prefetch = 0 : i64, scratch_operands = 0 : i64, tpu.core_type = #tpu.core_type<tc>, window_params = [{transform_indices = @transform_0, window_bounds = array<i64: 1000, 1>}, {transform_indices = @transform_1, window_bounds = array<i64: 1000, 128>}, {transform_indices = @transform_2, window_bounds = array<i64: 1, 1000, 128>}, {transform_indices = @transform_3, window_bounds = array<i64: 1, 1000, 128>}, {transform_indices = @transform_4, window_bounds = array<i64: 1, 1000, 1>}, {transform_indices = @transform_5, window_bounds = array<i64: 1, 1000, 1>}, {pipeline_mode = #tpu.pipeline_mode<synchronous>, transform_indices = @transform_6, window_bounds = array<i64: 128, 128>}, {pipeline_mode = #tpu.pipeline_mode<synchronous>, transform_indices = @transform_7, window_bounds = array<i64: 1, 128>}, {pipeline_mode = #tpu.pipeline_mode<synchronous>, transform_indices = @transform_8, window_bounds = array<i64: 128, 128>}, {pipeline_mode = #tpu.pipeline_mode<synchronous>, transform_indices = @transform_9, window_bounds = array<i64: 1, 128>}, {pipeline_mode = #tpu.pipeline_mode<synchronous>, transform_indices = @transform_10, window_bounds = array<i64: 1, 128>}, {pipeline_mode = #tpu.pipeline_mode<synchronous>, transform_indices = @transform_11, window_bounds = array<i64: 128, 1>}, {pipeline_mode = #tpu.pipeline_mode<synchronous>, transform_indices = @transform_12, window_bounds = array<i64: 1, 1>}, {transform_indices = @transform_13, window_bounds = array<i64: 1000, 128>}, {transform_indices = @transform_14, window_bounds = array<i64: 1000, 1>}, {pipeline_mode = #tpu.pipeline_mode<synchronous>, transform_indices = @transform_15, window_bounds = array<i64: 1, 256>}]} {
    %get3A = arith.constant 0 : index
    %get3A_0 = arith.constant 0 : index
    %get3A_1 = arith.constant 0 : index
    %get3A_2 = vector.load %arg5[%get3A, %get3A_0, %get3A_1] : memref<1x1000x1xf32, #tpu.memory_space<vmem>>, vector<1x1000x1xf32>
    %get3A_3 = vector.shape_cast %get3A_2 : vector<1x1000x1xf32> to vector<1000x1xf32>
    %get3A_4 = arith.constant 0 : index
    %get3A_5 = arith.constant 0 : index
    %get3A_6 = arith.constant 0 : index
    %get3A_7 = vector.load %arg6[%get3A_4, %get3A_5, %get3A_6] : memref<1x1000x1xf32, #tpu.memory_space<vmem>>, vector<1x1000x1xf32>
    %get3A_8 = vector.shape_cast %get3A_7 : vector<1x1000x1xf32> to vector<1000x1xf32>
    %add3A = arith.addf %get3A_3, %get3A_8 : vector<1000x1xf32>
    %get3A_9 = arith.constant 0 : index
    %get3A_10 = arith.constant 0 : index
    %get3A_11 = arith.constant 0 : index
    %get3A_12 = vector.load %arg3[%get3A_9, %get3A_10, %get3A_11] : memref<1x1000x128xf32, #tpu.memory_space<vmem>>, vector<1x1000x128xf32>
    %get3A_13 = vector.shape_cast %get3A_12 : vector<1x1000x128xf32> to vector<1000x128xf32>
    %get3A_14 = arith.constant 0 : index
    %get3A_15 = arith.constant 0 : index
    %get3A_16 = arith.constant 0 : index
    %get3A_17 = vector.load %arg4[%get3A_14, %get3A_15, %get3A_16] : memref<1x1000x128xf32, #tpu.memory_space<vmem>>, vector<1x1000x128xf32>
    %get3A_18 = vector.shape_cast %get3A_17 : vector<1x1000x128xf32> to vector<1000x128xf32>
    %add3A_19 = arith.addf %get3A_13, %get3A_18 : vector<1000x128xf32>
    %max3A = arith.constant 1.000000e+00 : f32
    %max3A_20 = vector.broadcast %max3A : f32 to vector<1000x1xf32>
    %max3A_21 = arith.maximumf %add3A, %max3A_20 : vector<1000x1xf32>
    %div3A = vector.broadcast %max3A_21 : vector<1000x1xf32> to vector<1000x128xf32>
    %div3A_22 = arith.divf %add3A_19, %div3A : vector<1000x128xf32>
    %get3A_23 = arith.constant 0 : index
    %get3A_24 = arith.constant 0 : index
    %get3A_25 = vector.load %arg7[%get3A_23, %get3A_24] : memref<128x128xf32, #tpu.memory_space<vmem>>, vector<128x128xf32>
    %dot_general3A = arith.constant dense<0.000000e+00> : vector<1000x128xf32>
    %dot_general3A_26 = tpu.matmul %div3A_22, %get3A_25, %dot_general3A {dimension_numbers = #tpu.dot_dimension_numbers<[1], [0], [0], [1], [0, 0, 1, 1], [], []>, transpose_lhs_hint = false} : vector<1000x128xf32>, vector<128x128xf32>, vector<1000x128xf32> -> vector<1000x128xf32>
    %get3A_27 = arith.constant 0 : index
    %get3A_28 = arith.constant 0 : index
    %get3A_29 = vector.load %arg2[%get3A_27, %get3A_28] : memref<1000x128xf32, #tpu.memory_space<vmem>>, vector<1000x128xf32>
    %get3A_30 = arith.constant 0 : index
    %get3A_31 = arith.constant 0 : index
    %get3A_32 = vector.load %arg9[%get3A_30, %get3A_31] : memref<128x128xf32, #tpu.memory_space<vmem>>, vector<128x128xf32>
    %dot_general3A_33 = arith.constant dense<0.000000e+00> : vector<1000x128xf32>
    %dot_general3A_34 = tpu.matmul %get3A_29, %get3A_32, %dot_general3A_33 {dimension_numbers = #tpu.dot_dimension_numbers<[1], [0], [0], [1], [0, 0, 1, 1], [], []>, transpose_lhs_hint = false} : vector<1000x128xf32>, vector<128x128xf32>, vector<1000x128xf32> -> vector<1000x128xf32>
    %add3A_35 = arith.addf %dot_general3A_26, %dot_general3A_34 : vector<1000x128xf32>
    %get3A_36 = arith.constant 0 : index
    %get3A_37 = arith.constant 0 : index
    %get3A_38 = vector.load %arg8[%get3A_36, %get3A_37] : memref<1x128xf32, #tpu.memory_space<vmem>>, vector<1x128xf32>
    %add3A_39 = vector.broadcast %get3A_38 : vector<1x128xf32> to vector<1000x128xf32>
    %add3A_40 = arith.addf %add3A_35, %add3A_39 : vector<1000x128xf32>
    %reduce_sum3A = arith.constant dense<0.000000e+00> : vector<1000xf32>
    %reduce_sum3A_41 = vector.multi_reduction <add>, %add3A_40, %reduce_sum3A [1] : vector<1000x128xf32> to vector<1000xf32>
    %broadcast_in_dim3A = vector.shape_cast %reduce_sum3A_41 : vector<1000xf32> to vector<1000x1xf32>
    %div3A_42 = arith.constant 1.280000e+02 : f32
    %div3A_43 = vector.broadcast %div3A_42 : f32 to vector<1000x1xf32>
    %div3A_44 = arith.divf %broadcast_in_dim3A, %div3A_43 : vector<1000x1xf32>
    %sub3A = vector.broadcast %div3A_44 : vector<1000x1xf32> to vector<1000x128xf32>
    %sub3A_45 = arith.subf %add3A_40, %sub3A : vector<1000x128xf32>
    %integer_pow3A = arith.mulf %sub3A_45, %sub3A_45 : vector<1000x128xf32>
    %reduce_sum3A_46 = arith.constant dense<0.000000e+00> : vector<1000xf32>
    %reduce_sum3A_47 = vector.multi_reduction <add>, %integer_pow3A, %reduce_sum3A_46 [1] : vector<1000x128xf32> to vector<1000xf32>
    %broadcast_in_dim3A_48 = vector.shape_cast %reduce_sum3A_47 : vector<1000xf32> to vector<1000x1xf32>
    %div3A_49 = arith.constant 1.280000e+02 : f32
    %div3A_50 = vector.broadcast %div3A_49 : f32 to vector<1000x1xf32>
    %div3A_51 = arith.divf %broadcast_in_dim3A_48, %div3A_50 : vector<1000x1xf32>
    %sub3A_52 = vector.broadcast %div3A_44 : vector<1000x1xf32> to vector<1000x128xf32>
    %sub3A_53 = arith.subf %add3A_40, %sub3A_52 : vector<1000x128xf32>
    %add3A_54 = arith.constant 9.99999974E-6 : f32
    %add3A_55 = vector.broadcast %add3A_54 : f32 to vector<1000x1xf32>
    %add3A_56 = arith.addf %div3A_51, %add3A_55 : vector<1000x1xf32>
    %rsqrt3A = math.rsqrt %add3A_56 : vector<1000x1xf32>
    %mul3A = vector.broadcast %rsqrt3A : vector<1000x1xf32> to vector<1000x128xf32>
    %mul3A_57 = arith.mulf %sub3A_53, %mul3A : vector<1000x128xf32>
    %get3A_58 = arith.constant 0 : index
    %get3A_59 = arith.constant 0 : index
    %get3A_60 = vector.load %arg10[%get3A_58, %get3A_59] : memref<1x128xf32, #tpu.memory_space<vmem>>, vector<1x128xf32>
    %mul3A_61 = vector.broadcast %get3A_60 : vector<1x128xf32> to vector<1000x128xf32>
    %mul3A_62 = arith.mulf %mul3A_57, %mul3A_61 : vector<1000x128xf32>
    %get3A_63 = arith.constant 0 : index
    %get3A_64 = arith.constant 0 : index
    %get3A_65 = vector.load %arg11[%get3A_63, %get3A_64] : memref<1x128xf32, #tpu.memory_space<vmem>>, vector<1x128xf32>
    %add3A_66 = vector.broadcast %get3A_65 : vector<1x128xf32> to vector<1000x128xf32>
    %add3A_67 = arith.addf %mul3A_62, %add3A_66 : vector<1000x128xf32>
    %mul3A_68 = arith.constant 5.000000e-01 : f32
    %mul3A_69 = vector.broadcast %mul3A_68 : f32 to vector<1000x128xf32>
    %mul3A_70 = arith.mulf %add3A_67, %mul3A_69 : vector<1000x128xf32>
    %mul3A_71 = arith.constant 0.707106769 : f32
    %mul3A_72 = vector.broadcast %mul3A_71 : f32 to vector<1000x128xf32>
    %mul3A_73 = arith.mulf %add3A_67, %mul3A_72 : vector<1000x128xf32>
    %erf3A = math.erf %mul3A_73 : vector<1000x128xf32>
    %add3A_74 = arith.constant 1.000000e+00 : f32
    %add3A_75 = vector.broadcast %add3A_74 : f32 to vector<1000x128xf32>
    %add3A_76 = arith.addf %add3A_75, %erf3A : vector<1000x128xf32>
    %mul3A_77 = arith.mulf %mul3A_70, %add3A_76 : vector<1000x128xf32>
    %swap3A = arith.constant 0 : index
    %swap3A_78 = arith.constant 0 : index
    %swap3A_79 = vector.load %arg14[%swap3A, %swap3A_78] : memref<1000x128xf32, #tpu.memory_space<vmem>>, vector<1000x128xf32>
    tpu.vector_store %arg14[%swap3A, %swap3A_78], %mul3A_77 {strides = array<i32>} : memref<1000x128xf32, #tpu.memory_space<vmem>>, vector<1000x128xf32>,
    %get3A_80 = arith.constant 0 : index
    %get3A_81 = arith.constant 0 : index
    %get3A_82 = vector.load %arg12[%get3A_80, %get3A_81] : memref<128x1xf32, #tpu.memory_space<vmem>>, vector<128x1xf32>
    %dot_general3A_83 = arith.constant dense<0.000000e+00> : vector<1000x1xf32>
    %dot_general3A_84 = tpu.matmul %mul3A_77, %get3A_82, %dot_general3A_83 {dimension_numbers = #tpu.dot_dimension_numbers<[1], [0], [0], [1], [0, 0, 1, 1], [], []>, transpose_lhs_hint = false} : vector<1000x128xf32>, vector<128x1xf32>, vector<1000x1xf32> -> vector<1000x1xf32>
    %get3A_85 = arith.constant 0 : index
    %get3A_86 = arith.constant 0 : index
    %get3A_87 = vector.load %arg13[%get3A_85, %get3A_86] : memref<1x1xf32, #tpu.memory_space<vmem>>, vector<1x1xf32>
    %add3A_88 = vector.broadcast %get3A_87 : vector<1x1xf32> to vector<1000x1xf32>
    %add3A_89 = arith.addf %dot_general3A_84, %add3A_88 : vector<1000x1xf32>
    %swap3A_90 = arith.constant 0 : index
    %swap3A_91 = arith.constant 0 : index
    %swap3A_92 = vector.load %arg15[%swap3A_90, %swap3A_91] : memref<1000x1xf32, #tpu.memory_space<vmem>>, vector<1000x1xf32>
    tpu.vector_store %arg15[%swap3A_90, %swap3A_91], %add3A_89 {strides = array<i32>} : memref<1000x1xf32, #tpu.memory_space<vmem>>, vector<1000x1xf32>,
    %eq3A = arith.constant 0 : i32
    %eq3A_93 = arith.cmpi eq, %arg0, %eq3A : i32
    %convert_element_type3A = arith.extui %eq3A_93 : i1 to i32
    %cond3A = arith.constant 0 : i32
    %cond3A_94 = arith.cmpi ne, %convert_element_type3A, %cond3A : i32
    scf.if %cond3A_94 {
      %broadcast_in_dim3A_113 = arith.constant 0xFF800000 : f32
      %broadcast_in_dim3A_114 = vector.broadcast %broadcast_in_dim3A_113 : f32 to vector<1x256xf32>
      %swap3A_115 = arith.constant 0 : index
      %swap3A_116 = arith.constant 0 : index
      %swap3A_117 = vector.load %arg16[%swap3A_115, %swap3A_116] : memref<1x256xf32, #tpu.memory_space<vmem>>, vector<1x256xf32>
      tpu.vector_store %arg16[%swap3A_115, %swap3A_116], %broadcast_in_dim3A_114 {strides = array<i32>} : memref<1x256xf32, #tpu.memory_space<vmem>>, vector<1x256xf32>,
    } else {
    }
    %get3A_95 = arith.constant 0 : index
    %get3A_96 = arith.constant 0 : index
    %get3A_97 = vector.load %arg1[%get3A_95, %get3A_96] : memref<1000x1xi32, #tpu.memory_space<vmem>>, vector<1000x1xi32>
    %iota3A = tpu.iota {dimensions = array<i32: 1>} : vector<1x256xi32>
    %eq3A_98 = vector.broadcast %get3A_97 : vector<1000x1xi32> to vector<1000x256xi32>
    %eq3A_99 = vector.broadcast %iota3A : vector<1x256xi32> to vector<1000x256xi32>
    %eq3A_100 = arith.cmpi eq, %eq3A_98, %eq3A_99 : vector<1000x256xi32>
    %jit3A = arith.constant 0xFF800000 : f32
    %broadcast_in_dim3A_101 = vector.shape_cast %add3A_89 : vector<1000x1xf32> to vector<1000x1xf32>
    %broadcast_in_dim3A_102 = vector.broadcast %broadcast_in_dim3A_101 : vector<1000x1xf32> to vector<1000x256xf32>
    %broadcast_in_dim3A_103 = vector.broadcast %jit3A : f32 to vector<1000x256xf32>
    %select_n3A = arith.select %eq3A_100, %broadcast_in_dim3A_102, %broadcast_in_dim3A_103 : vector<1000x256xi1>, vector<1000x256xf32>
    %get3A_104 = arith.constant 0 : index
    %get3A_105 = arith.constant 0 : index
    %get3A_106 = vector.load %arg16[%get3A_104, %get3A_105] : memref<1x256xf32, #tpu.memory_space<vmem>>, vector<1x256xf32>
    %reduce_max3A = arith.constant dense<0xFF800000> : vector<256xf32>
    %reduce_max3A_107 = vector.multi_reduction <maximumf>, %select_n3A, %reduce_max3A [0] : vector<1000x256xf32> to vector<256xf32>
    %broadcast_in_dim3A_108 = vector.shape_cast %reduce_max3A_107 : vector<256xf32> to vector<1x256xf32>
    %max3A_109 = arith.maximumf %get3A_106, %broadcast_in_dim3A_108 : vector<1x256xf32>
    %swap3A_110 = arith.constant 0 : index
    %swap3A_111 = arith.constant 0 : index
    %swap3A_112 = vector.load %arg16[%swap3A_110, %swap3A_111] : memref<1x256xf32, #tpu.memory_space<vmem>>, vector<1x256xf32>
    tpu.vector_store %arg16[%swap3A_110, %swap3A_111], %max3A_109 {strides = array<i32>} : memref<1x256xf32, #tpu.memory_space<vmem>>, vector<1x256xf32>,
    return
  }
  func.func @transform_0(%arg0: i32) -> (i32, i32) {
    %c0_i32 = arith.constant 0 : i32
    %c0_i32_0 = arith.constant 0 : i32
    return %arg0, %c0_i32 : i32, i32
  }
  func.func @transform_1(%arg0: i32) -> (i32, i32) {
    %c0_i32 = arith.constant 0 : i32
    %c0_i32_0 = arith.constant 0 : i32
    return %arg0, %c0_i32 : i32, i32
  }
  func.func @transform_2(%arg0: i32) -> (i32, i32, i32) {
    %c0_i32 = arith.constant 0 : i32
    %c0_i32_0 = arith.constant 0 : i32
    %c0_i32_1 = arith.constant 0 : i32
    return %c0_i32, %arg0, %c0_i32_0 : i32, i32, i32
  }
  func.func @transform_3(%arg0: i32) -> (i32, i32, i32) {
    %c1_i32 = arith.constant 1 : i32
    %c0_i32 = arith.constant 0 : i32
    %c0_i32_0 = arith.constant 0 : i32
    return %c1_i32, %arg0, %c0_i32 : i32, i32, i32
  }
  func.func @transform_4(%arg0: i32) -> (i32, i32, i32) {
    %c0_i32 = arith.constant 0 : i32
    %c0_i32_0 = arith.constant 0 : i32
    %c0_i32_1 = arith.constant 0 : i32
    return %c0_i32, %arg0, %c0_i32_0 : i32, i32, i32
  }
  func.func @transform_5(%arg0: i32) -> (i32, i32, i32) {
    %c1_i32 = arith.constant 1 : i32
    %c0_i32 = arith.constant 0 : i32
    %c0_i32_0 = arith.constant 0 : i32
    return %c1_i32, %arg0, %c0_i32 : i32, i32, i32
  }
  func.func @transform_6(%arg0: i32) -> (i32, i32) {
    %c0_i32 = arith.constant 0 : i32
    %c0_i32_0 = arith.constant 0 : i32
    %c0_i32_1 = arith.constant 0 : i32
    return %c0_i32, %c0_i32_0 : i32, i32
  }
  func.func @transform_7(%arg0: i32) -> (i32, i32) {
    %c0_i32 = arith.constant 0 : i32
    %c0_i32_0 = arith.constant 0 : i32
    %c0_i32_1 = arith.constant 0 : i32
    return %c0_i32, %c0_i32_0 : i32, i32
  }
  func.func @transform_8(%arg0: i32) -> (i32, i32) {
    %c0_i32 = arith.constant 0 : i32
    %c0_i32_0 = arith.constant 0 : i32
    %c0_i32_1 = arith.constant 0 : i32
    return %c0_i32, %c0_i32_0 : i32, i32
  }
  func.func @transform_9(%arg0: i32) -> (i32, i32) {
    %c0_i32 = arith.constant 0 : i32
    %c0_i32_0 = arith.constant 0 : i32
    %c0_i32_1 = arith.constant 0 : i32
    return %c0_i32, %c0_i32_0 : i32, i32
  }
  func.func @transform_10(%arg0: i32) -> (i32, i32) {
    %c0_i32 = arith.constant 0 : i32
    %c0_i32_0 = arith.constant 0 : i32
    %c0_i32_1 = arith.constant 0 : i32
    return %c0_i32, %c0_i32_0 : i32, i32
  }
  func.func @transform_11(%arg0: i32) -> (i32, i32) {
    %c0_i32 = arith.constant 0 : i32
    %c0_i32_0 = arith.constant 0 : i32
    %c0_i32_1 = arith.constant 0 : i32
    return %c0_i32, %c0_i32_0 : i32, i32
  }
  func.func @transform_12(%arg0: i32) -> (i32, i32) {
    %c0_i32 = arith.constant 0 : i32
    %c0_i32_0 = arith.constant 0 : i32
    %c0_i32_1 = arith.constant 0 : i32
    return %c0_i32, %c0_i32_0 : i32, i32
  }
  func.func @transform_13(%arg0: i32) -> (i32, i32) {
    %c0_i32 = arith.constant 0 : i32
    %c0_i32_0 = arith.constant 0 : i32
    return %arg0, %c0_i32 : i32, i32
  }
  func.func @transform_14(%arg0: i32) -> (i32, i32) {
    %c0_i32 = arith.constant 0 : i32
    %c0_i32_0 = arith.constant 0 : i32
    return %arg0, %c0_i32 : i32, i32
  }
  func.func @transform_15(%arg0: i32) -> (i32, i32) {
    %c0_i32 = arith.constant 0 : i32
    %c0_i32_0 = arith.constant 0 : i32
    %c0_i32_1 = arith.constant 0 : i32
    return %c0_i32, %c0_i32_0 : i32, i32
  }
}

module attributes {stable_mosaic.version = 14 : i64} {
  func.func @body(%arg0: i32, %arg1: memref<1000x1xi32, #tpu.memory_space<vmem>>, %arg2: memref<1000x1xf32, #tpu.memory_space<vmem>>, %arg3: memref<256x129xf32, #tpu.memory_space<vmem>>, %arg4: memref<256x768xf32, #tpu.memory_space<vmem>>, %arg5: memref<256x14xf32, #tpu.memory_space<vmem>>, %arg6: memref<768x128xf32, #tpu.memory_space<vmem>>, %arg7: memref<1x128xf32, #tpu.memory_space<vmem>>, %arg8: memref<14x128xf32, #tpu.memory_space<vmem>>, %arg9: memref<1x128xf32, #tpu.memory_space<vmem>>, %arg10: memref<1x384xf32, #tpu.memory_space<vmem>>, %arg11: memref<1x384xf32, #tpu.memory_space<vmem>>, %arg12: memref<384x1xf32, #tpu.memory_space<vmem>>, %arg13: memref<1x1xf32, #tpu.memory_space<vmem>>, %arg14: memref<1x1xf32, #tpu.memory_space<vmem>>, %arg15: memref<256x1xf32, #tpu.memory_space<vmem>>, %arg16: memref<256x128xf32, #tpu.memory_space<vmem>>, %arg17: memref<1000x1xf32, #tpu.memory_space<vmem>>) attributes {dimension_semantics = [#tpu.dimension_semantics<arbitrary>], iteration_bounds = array<i64: 10>, scalar_prefetch = 0 : i64, scratch_operands = 0 : i64, tpu.core_type = #tpu.core_type<tc>, window_params = [{transform_indices = @transform_0, window_bounds = array<i64: 1000, 1>}, {transform_indices = @transform_1, window_bounds = array<i64: 1000, 1>}, {pipeline_mode = #tpu.pipeline_mode<synchronous>, transform_indices = @transform_2, window_bounds = array<i64: 256, 129>}, {pipeline_mode = #tpu.pipeline_mode<synchronous>, transform_indices = @transform_3, window_bounds = array<i64: 256, 768>}, {pipeline_mode = #tpu.pipeline_mode<synchronous>, transform_indices = @transform_4, window_bounds = array<i64: 256, 14>}, {pipeline_mode = #tpu.pipeline_mode<synchronous>, transform_indices = @transform_5, window_bounds = array<i64: 768, 128>}, {pipeline_mode = #tpu.pipeline_mode<synchronous>, transform_indices = @transform_6, window_bounds = array<i64: 1, 128>}, {pipeline_mode = #tpu.pipeline_mode<synchronous>, transform_indices = @transform_7, window_bounds = array<i64: 14, 128>}, {pipeline_mode = #tpu.pipeline_mode<synchronous>, transform_indices = @transform_8, window_bounds = array<i64: 1, 128>}, {pipeline_mode = #tpu.pipeline_mode<synchronous>, transform_indices = @transform_9, window_bounds = array<i64: 1, 384>}, {pipeline_mode = #tpu.pipeline_mode<synchronous>, transform_indices = @transform_10, window_bounds = array<i64: 1, 384>}, {pipeline_mode = #tpu.pipeline_mode<synchronous>, transform_indices = @transform_11, window_bounds = array<i64: 384, 1>}, {pipeline_mode = #tpu.pipeline_mode<synchronous>, transform_indices = @transform_12, window_bounds = array<i64: 1, 1>}, {pipeline_mode = #tpu.pipeline_mode<synchronous>, transform_indices = @transform_13, window_bounds = array<i64: 1, 1>}, {pipeline_mode = #tpu.pipeline_mode<synchronous>, transform_indices = @transform_14, window_bounds = array<i64: 256, 1>}, {pipeline_mode = #tpu.pipeline_mode<synchronous>, transform_indices = @transform_15, window_bounds = array<i64: 256, 128>}, {transform_indices = @transform_16, window_bounds = array<i64: 1000, 1>}]} {
    %get3A = arith.constant 0 : index
    %get3A_0 = arith.constant 0 : index
    %get3A_1 = vector.load %arg3[%get3A, %get3A_0] : memref<256x129xf32, #tpu.memory_space<vmem>>, vector<256x129xf32>
    %slice3A = vector.extract_strided_slice %get3A_1 {offsets = [0, 128], sizes = [256, 1], strides = [1, 1]} : vector<256x129xf32> to vector<256x1xf32>
    %add3A = arith.constant 1.000000e-16 : f32
    %add3A_2 = vector.broadcast %add3A : f32 to vector<256x1xf32>
    %add3A_3 = arith.addf %slice3A, %add3A_2 : vector<256x1xf32>
    %div3A = arith.constant 1.000000e+00 : f32
    %div3A_4 = vector.broadcast %div3A : f32 to vector<256x1xf32>
    %div3A_5 = arith.divf %div3A_4, %add3A_3 : vector<256x1xf32>
    %eq3A = arith.constant 0 : i32
    %eq3A_6 = arith.cmpi eq, %arg0, %eq3A : i32
    %convert_element_type3A = arith.extui %eq3A_6 : i1 to i32
    %cond3A = arith.constant 0 : i32
    %cond3A_7 = arith.cmpi ne, %convert_element_type3A, %cond3A : i32
    scf.if %cond3A_7 {
      %get3A_22 = arith.constant 0 : index
      %get3A_23 = arith.constant 0 : index
      %get3A_24 = vector.load %arg3[%get3A_22, %get3A_23] : memref<256x129xf32, #tpu.memory_space<vmem>>, vector<256x129xf32>
      %slice3A_25 = vector.extract_strided_slice %get3A_24 {offsets = [0, 0], sizes = [256, 128], strides = [1, 1]} : vector<256x129xf32> to vector<256x128xf32>
      %mul3A_26 = vector.broadcast %div3A_5 : vector<256x1xf32> to vector<256x128xf32>
      %mul3A_27 = arith.mulf %slice3A_25, %mul3A_26 : vector<256x128xf32>
      %swap3A_28 = arith.constant 0 : index
      %swap3A_29 = arith.constant 0 : index
      %swap3A_30 = vector.load %arg16[%swap3A_28, %swap3A_29] : memref<256x128xf32, #tpu.memory_space<vmem>>, vector<256x128xf32>
      tpu.vector_store %arg16[%swap3A_28, %swap3A_29], %mul3A_27 {strides = array<i32>} : memref<256x128xf32, #tpu.memory_space<vmem>>, vector<256x128xf32>,
      %get3A_31 = arith.constant 0 : index
      %get3A_32 = arith.constant 0 : index
      %get3A_33 = vector.load %arg14[%get3A_31, %get3A_32] : memref<1x1xf32, #tpu.memory_space<vmem>>, vector<1x1xf32>
      %get3A_34 = vector.extract %get3A_33[0, 0] : f32 from vector<1x1xf32>
      %mul3A_35 = vector.broadcast %get3A_34 : f32 to vector<256x128xf32>
      %mul3A_36 = arith.mulf %mul3A_35, %mul3A_27 : vector<256x128xf32>
      %get3A_37 = arith.constant 0 : index
      %get3A_38 = arith.constant 0 : index
      %get3A_39 = vector.load %arg4[%get3A_37, %get3A_38] : memref<256x768xf32, #tpu.memory_space<vmem>>, vector<256x768xf32>
      %get3A_40 = arith.constant 0 : index
      %get3A_41 = arith.constant 0 : index
      %get3A_42 = vector.load %arg6[%get3A_40, %get3A_41] : memref<768x128xf32, #tpu.memory_space<vmem>>, vector<768x128xf32>
      %dot_general3A_43 = arith.constant dense<0.000000e+00> : vector<256x128xf32>
      %dot_general3A_44 = tpu.matmul %get3A_39, %get3A_42, %dot_general3A_43 {dimension_numbers = #tpu.dot_dimension_numbers<[1], [0], [0], [1], [0, 0, 1, 1], [], []>, transpose_lhs_hint = false} : vector<256x768xf32>, vector<768x128xf32>, vector<256x128xf32> -> vector<256x128xf32>
      %get3A_45 = arith.constant 0 : index
      %get3A_46 = arith.constant 0 : index
      %get3A_47 = vector.load %arg7[%get3A_45, %get3A_46] : memref<1x128xf32, #tpu.memory_space<vmem>>, vector<1x128xf32>
      %add3A_48 = vector.broadcast %get3A_47 : vector<1x128xf32> to vector<256x128xf32>
      %add3A_49 = arith.addf %dot_general3A_44, %add3A_48 : vector<256x128xf32>
      %mul3A_50 = arith.constant 5.000000e-01 : f32
      %mul3A_51 = vector.broadcast %mul3A_50 : f32 to vector<256x128xf32>
      %mul3A_52 = arith.mulf %add3A_49, %mul3A_51 : vector<256x128xf32>
      %mul3A_53 = arith.constant 0.707106769 : f32
      %mul3A_54 = vector.broadcast %mul3A_53 : f32 to vector<256x128xf32>
      %mul3A_55 = arith.mulf %add3A_49, %mul3A_54 : vector<256x128xf32>
      %erf3A = math.erf %mul3A_55 : vector<256x128xf32>
      %add3A_56 = arith.constant 1.000000e+00 : f32
      %add3A_57 = vector.broadcast %add3A_56 : f32 to vector<256x128xf32>
      %add3A_58 = arith.addf %add3A_57, %erf3A : vector<256x128xf32>
      %mul3A_59 = arith.mulf %mul3A_52, %add3A_58 : vector<256x128xf32>
      %get3A_60 = arith.constant 0 : index
      %get3A_61 = arith.constant 0 : index
      %get3A_62 = vector.load %arg5[%get3A_60, %get3A_61] : memref<256x14xf32, #tpu.memory_space<vmem>>, vector<256x14xf32>
      %get3A_63 = arith.constant 0 : index
      %get3A_64 = arith.constant 0 : index
      %get3A_65 = vector.load %arg8[%get3A_63, %get3A_64] : memref<14x128xf32, #tpu.memory_space<vmem>>, vector<14x128xf32>
      %dot_general3A_66 = arith.constant dense<0.000000e+00> : vector<256x128xf32>
      %dot_general3A_67 = tpu.matmul %get3A_62, %get3A_65, %dot_general3A_66 {dimension_numbers = #tpu.dot_dimension_numbers<[1], [0], [0], [1], [0, 0, 1, 1], [], []>, transpose_lhs_hint = false} : vector<256x14xf32>, vector<14x128xf32>, vector<256x128xf32> -> vector<256x128xf32>
      %get3A_68 = arith.constant 0 : index
      %get3A_69 = arith.constant 0 : index
      %get3A_70 = vector.load %arg9[%get3A_68, %get3A_69] : memref<1x128xf32, #tpu.memory_space<vmem>>, vector<1x128xf32>
      %add3A_71 = vector.broadcast %get3A_70 : vector<1x128xf32> to vector<256x128xf32>
      %add3A_72 = arith.addf %dot_general3A_67, %add3A_71 : vector<256x128xf32>
      %mul3A_73 = arith.constant 5.000000e-01 : f32
      %mul3A_74 = vector.broadcast %mul3A_73 : f32 to vector<256x128xf32>
      %mul3A_75 = arith.mulf %add3A_72, %mul3A_74 : vector<256x128xf32>
      %mul3A_76 = arith.constant 0.707106769 : f32
      %mul3A_77 = vector.broadcast %mul3A_76 : f32 to vector<256x128xf32>
      %mul3A_78 = arith.mulf %add3A_72, %mul3A_77 : vector<256x128xf32>
      %erf3A_79 = math.erf %mul3A_78 : vector<256x128xf32>
      %add3A_80 = arith.constant 1.000000e+00 : f32
      %add3A_81 = vector.broadcast %add3A_80 : f32 to vector<256x128xf32>
      %add3A_82 = arith.addf %add3A_81, %erf3A_79 : vector<256x128xf32>
      %mul3A_83 = arith.mulf %mul3A_75, %add3A_82 : vector<256x128xf32>
      %concatenate3A = tpu.concatenate %mul3A_36, %mul3A_59, %mul3A_83 in 1 : vector<256x128xf32>, vector<256x128xf32>, vector<256x128xf32> -> vector<256x384xf32>
      %reduce_sum3A = arith.constant dense<0.000000e+00> : vector<256xf32>
      %reduce_sum3A_84 = vector.multi_reduction <add>, %concatenate3A, %reduce_sum3A [1] : vector<256x384xf32> to vector<256xf32>
      %broadcast_in_dim3A = vector.shape_cast %reduce_sum3A_84 : vector<256xf32> to vector<256x1xf32>
      %div3A_85 = arith.constant 3.840000e+02 : f32
      %div3A_86 = vector.broadcast %div3A_85 : f32 to vector<256x1xf32>
      %div3A_87 = arith.divf %broadcast_in_dim3A, %div3A_86 : vector<256x1xf32>
      %sub3A = vector.broadcast %div3A_87 : vector<256x1xf32> to vector<256x384xf32>
      %sub3A_88 = arith.subf %concatenate3A, %sub3A : vector<256x384xf32>
      %integer_pow3A = arith.mulf %sub3A_88, %sub3A_88 : vector<256x384xf32>
      %reduce_sum3A_89 = arith.constant dense<0.000000e+00> : vector<256xf32>
      %reduce_sum3A_90 = vector.multi_reduction <add>, %integer_pow3A, %reduce_sum3A_89 [1] : vector<256x384xf32> to vector<256xf32>
      %broadcast_in_dim3A_91 = vector.shape_cast %reduce_sum3A_90 : vector<256xf32> to vector<256x1xf32>
      %div3A_92 = arith.constant 3.840000e+02 : f32
      %div3A_93 = vector.broadcast %div3A_92 : f32 to vector<256x1xf32>
      %div3A_94 = arith.divf %broadcast_in_dim3A_91, %div3A_93 : vector<256x1xf32>
      %sub3A_95 = vector.broadcast %div3A_87 : vector<256x1xf32> to vector<256x384xf32>
      %sub3A_96 = arith.subf %concatenate3A, %sub3A_95 : vector<256x384xf32>
      %add3A_97 = arith.constant 9.99999974E-6 : f32
      %add3A_98 = vector.broadcast %add3A_97 : f32 to vector<256x1xf32>
      %add3A_99 = arith.addf %div3A_94, %add3A_98 : vector<256x1xf32>
      %rsqrt3A = math.rsqrt %add3A_99 : vector<256x1xf32>
      %mul3A_100 = vector.broadcast %rsqrt3A : vector<256x1xf32> to vector<256x384xf32>
      %mul3A_101 = arith.mulf %sub3A_96, %mul3A_100 : vector<256x384xf32>
      %get3A_102 = arith.constant 0 : index
      %get3A_103 = arith.constant 0 : index
      %get3A_104 = vector.load %arg10[%get3A_102, %get3A_103] : memref<1x384xf32, #tpu.memory_space<vmem>>, vector<1x384xf32>
      %mul3A_105 = vector.broadcast %get3A_104 : vector<1x384xf32> to vector<256x384xf32>
      %mul3A_106 = arith.mulf %mul3A_101, %mul3A_105 : vector<256x384xf32>
      %get3A_107 = arith.constant 0 : index
      %get3A_108 = arith.constant 0 : index
      %get3A_109 = vector.load %arg11[%get3A_107, %get3A_108] : memref<1x384xf32, #tpu.memory_space<vmem>>, vector<1x384xf32>
      %add3A_110 = vector.broadcast %get3A_109 : vector<1x384xf32> to vector<256x384xf32>
      %add3A_111 = arith.addf %mul3A_106, %add3A_110 : vector<256x384xf32>
      %get3A_112 = arith.constant 0 : index
      %get3A_113 = arith.constant 0 : index
      %get3A_114 = vector.load %arg12[%get3A_112, %get3A_113] : memref<384x1xf32, #tpu.memory_space<vmem>>, vector<384x1xf32>
      %dot_general3A_115 = arith.constant dense<0.000000e+00> : vector<256x1xf32>
      %dot_general3A_116 = tpu.matmul %add3A_111, %get3A_114, %dot_general3A_115 {dimension_numbers = #tpu.dot_dimension_numbers<[1], [0], [0], [1], [0, 0, 1, 1], [], []>, transpose_lhs_hint = false} : vector<256x384xf32>, vector<384x1xf32>, vector<256x1xf32> -> vector<256x1xf32>
      %get3A_117 = arith.constant 0 : index
      %get3A_118 = arith.constant 0 : index
      %get3A_119 = vector.load %arg13[%get3A_117, %get3A_118] : memref<1x1xf32, #tpu.memory_space<vmem>>, vector<1x1xf32>
      %add3A_120 = vector.broadcast %get3A_119 : vector<1x1xf32> to vector<256x1xf32>
      %add3A_121 = arith.addf %dot_general3A_116, %add3A_120 : vector<256x1xf32>
      %swap3A_122 = arith.constant 0 : index
      %swap3A_123 = arith.constant 0 : index
      %swap3A_124 = vector.load %arg15[%swap3A_122, %swap3A_123] : memref<256x1xf32, #tpu.memory_space<vmem>>, vector<256x1xf32>
      tpu.vector_store %arg15[%swap3A_122, %swap3A_123], %add3A_121 {strides = array<i32>} : memref<256x1xf32, #tpu.memory_space<vmem>>, vector<256x1xf32>,
    } else {
    }
    %get3A_8 = arith.constant 0 : index
    %get3A_9 = arith.constant 0 : index
    %get3A_10 = vector.load %arg1[%get3A_8, %get3A_9] : memref<1000x1xi32, #tpu.memory_space<vmem>>, vector<1000x1xi32>
    %iota3A = tpu.iota {dimensions = array<i32: 1>} : vector<1x256xi32>
    %eq3A_11 = vector.broadcast %get3A_10 : vector<1000x1xi32> to vector<1000x256xi32>
    %eq3A_12 = vector.broadcast %iota3A : vector<1x256xi32> to vector<1000x256xi32>
    %eq3A_13 = arith.cmpi eq, %eq3A_11, %eq3A_12 : vector<1000x256xi32>
    %convert_element_type3A_14 = arith.extui %eq3A_13 : vector<1000x256xi1> to vector<1000x256xi32>
    %convert_element_type3A_15 = arith.sitofp %convert_element_type3A_14 : vector<1000x256xi32> to vector<1000x256xf32>
    %get3A_16 = arith.constant 0 : index
    %get3A_17 = arith.constant 0 : index
    %get3A_18 = vector.load %arg2[%get3A_16, %get3A_17] : memref<1000x1xf32, #tpu.memory_space<vmem>>, vector<1000x1xf32>
    %dot_general3A = arith.constant dense<0.000000e+00> : vector<1000x1xf32>
    %dot_general3A_19 = tpu.matmul %convert_element_type3A_15, %div3A_5, %dot_general3A {dimension_numbers = #tpu.dot_dimension_numbers<[1], [0], [0], [1], [0, 0, 1, 1], [], []>, transpose_lhs_hint = false} : vector<1000x256xf32>, vector<256x1xf32>, vector<1000x1xf32> -> vector<1000x1xf32>
    %mul3A = arith.mulf %get3A_18, %dot_general3A_19 : vector<1000x1xf32>
    %swap3A = arith.constant 0 : index
    %swap3A_20 = arith.constant 0 : index
    %swap3A_21 = vector.load %arg17[%swap3A, %swap3A_20] : memref<1000x1xf32, #tpu.memory_space<vmem>>, vector<1000x1xf32>
    tpu.vector_store %arg17[%swap3A, %swap3A_20], %mul3A {strides = array<i32>} : memref<1000x1xf32, #tpu.memory_space<vmem>>, vector<1000x1xf32>,
    return
  }
  func.func @transform_0(%arg0: i32) -> (i32, i32) {
    %c0_i32 = arith.constant 0 : i32
    %c0_i32_0 = arith.constant 0 : i32
    return %arg0, %c0_i32 : i32, i32
  }
  func.func @transform_1(%arg0: i32) -> (i32, i32) {
    %c0_i32 = arith.constant 0 : i32
    %c0_i32_0 = arith.constant 0 : i32
    return %arg0, %c0_i32 : i32, i32
  }
  func.func @transform_2(%arg0: i32) -> (i32, i32) {
    %c0_i32 = arith.constant 0 : i32
    %c0_i32_0 = arith.constant 0 : i32
    %c0_i32_1 = arith.constant 0 : i32
    return %c0_i32, %c0_i32_0 : i32, i32
  }
  func.func @transform_3(%arg0: i32) -> (i32, i32) {
    %c0_i32 = arith.constant 0 : i32
    %c0_i32_0 = arith.constant 0 : i32
    %c0_i32_1 = arith.constant 0 : i32
    return %c0_i32, %c0_i32_0 : i32, i32
  }
  func.func @transform_4(%arg0: i32) -> (i32, i32) {
    %c0_i32 = arith.constant 0 : i32
    %c0_i32_0 = arith.constant 0 : i32
    %c0_i32_1 = arith.constant 0 : i32
    return %c0_i32, %c0_i32_0 : i32, i32
  }
  func.func @transform_5(%arg0: i32) -> (i32, i32) {
    %c0_i32 = arith.constant 0 : i32
    %c0_i32_0 = arith.constant 0 : i32
    %c0_i32_1 = arith.constant 0 : i32
    return %c0_i32, %c0_i32_0 : i32, i32
  }
  func.func @transform_6(%arg0: i32) -> (i32, i32) {
    %c0_i32 = arith.constant 0 : i32
    %c0_i32_0 = arith.constant 0 : i32
    %c0_i32_1 = arith.constant 0 : i32
    return %c0_i32, %c0_i32_0 : i32, i32
  }
  func.func @transform_7(%arg0: i32) -> (i32, i32) {
    %c0_i32 = arith.constant 0 : i32
    %c0_i32_0 = arith.constant 0 : i32
    %c0_i32_1 = arith.constant 0 : i32
    return %c0_i32, %c0_i32_0 : i32, i32
  }
  func.func @transform_8(%arg0: i32) -> (i32, i32) {
    %c0_i32 = arith.constant 0 : i32
    %c0_i32_0 = arith.constant 0 : i32
    %c0_i32_1 = arith.constant 0 : i32
    return %c0_i32, %c0_i32_0 : i32, i32
  }
  func.func @transform_9(%arg0: i32) -> (i32, i32) {
    %c0_i32 = arith.constant 0 : i32
    %c0_i32_0 = arith.constant 0 : i32
    %c0_i32_1 = arith.constant 0 : i32
    return %c0_i32, %c0_i32_0 : i32, i32
  }
  func.func @transform_10(%arg0: i32) -> (i32, i32) {
    %c0_i32 = arith.constant 0 : i32
    %c0_i32_0 = arith.constant 0 : i32
    %c0_i32_1 = arith.constant 0 : i32
    return %c0_i32, %c0_i32_0 : i32, i32
  }
  func.func @transform_11(%arg0: i32) -> (i32, i32) {
    %c0_i32 = arith.constant 0 : i32
    %c0_i32_0 = arith.constant 0 : i32
    %c0_i32_1 = arith.constant 0 : i32
    return %c0_i32, %c0_i32_0 : i32, i32
  }
  func.func @transform_12(%arg0: i32) -> (i32, i32) {
    %c0_i32 = arith.constant 0 : i32
    %c0_i32_0 = arith.constant 0 : i32
    %c0_i32_1 = arith.constant 0 : i32
    return %c0_i32, %c0_i32_0 : i32, i32
  }
  func.func @transform_13(%arg0: i32) -> (i32, i32) {
    %c0_i32 = arith.constant 0 : i32
    %c0_i32_0 = arith.constant 0 : i32
    %c0_i32_1 = arith.constant 0 : i32
    return %c0_i32, %c0_i32_0 : i32, i32
  }
  func.func @transform_14(%arg0: i32) -> (i32, i32) {
    %c0_i32 = arith.constant 0 : i32
    %c0_i32_0 = arith.constant 0 : i32
    %c0_i32_1 = arith.constant 0 : i32
    return %c0_i32, %c0_i32_0 : i32, i32
  }
  func.func @transform_15(%arg0: i32) -> (i32, i32) {
    %c0_i32 = arith.constant 0 : i32
    %c0_i32_0 = arith.constant 0 : i32
    %c0_i32_1 = arith.constant 0 : i32
    return %c0_i32, %c0_i32_0 : i32, i32
  }
  func.func @transform_16(%arg0: i32) -> (i32, i32) {
    %c0_i32 = arith.constant 0 : i32
    %c0_i32_0 = arith.constant 0 : i32
    return %arg0, %c0_i32 : i32, i32
  }
}

module attributes {stable_mosaic.version = 14 : i64} {
  func.func @body(%arg0: i32, %arg1: memref<1000x1xi32, #tpu.memory_space<vmem>>, %arg2: memref<1000x1xf32, #tpu.memory_space<vmem>>, %arg3: memref<1000x128xf32, #tpu.memory_space<vmem>>, %arg4: memref<1x256xf32, #tpu.memory_space<vmem>>, %arg5: memref<1000x1xf32, #tpu.memory_space<vmem>>, %arg6: memref<256x129xf32, #tpu.memory_space<vmem>>) attributes {dimension_semantics = [#tpu.dimension_semantics<arbitrary>], iteration_bounds = array<i64: 10>, scalar_prefetch = 0 : i64, scratch_operands = 0 : i64, tpu.core_type = #tpu.core_type<tc>, window_params = [{transform_indices = @transform_0, window_bounds = array<i64: 1000, 1>}, {transform_indices = @transform_1, window_bounds = array<i64: 1000, 1>}, {transform_indices = @transform_2, window_bounds = array<i64: 1000, 128>}, {pipeline_mode = #tpu.pipeline_mode<synchronous>, transform_indices = @transform_3, window_bounds = array<i64: 1, 256>}, {transform_indices = @transform_4, window_bounds = array<i64: 1000, 1>}, {pipeline_mode = #tpu.pipeline_mode<synchronous>, transform_indices = @transform_5, window_bounds = array<i64: 256, 129>}]} {
    %eq3A = arith.constant 0 : i32
    %eq3A_0 = arith.cmpi eq, %arg0, %eq3A : i32
    %convert_element_type3A = arith.extui %eq3A_0 : i1 to i32
    %cond3A = arith.constant 0 : i32
    %cond3A_1 = arith.cmpi ne, %convert_element_type3A, %cond3A : i32
    scf.if %cond3A_1 {
      %broadcast_in_dim3A_32 = arith.constant 0.000000e+00 : f32
      %broadcast_in_dim3A_33 = vector.broadcast %broadcast_in_dim3A_32 : f32 to vector<256x129xf32>
      %swap3A_34 = arith.constant 0 : index
      %swap3A_35 = arith.constant 0 : index
      %swap3A_36 = vector.load %arg6[%swap3A_34, %swap3A_35] : memref<256x129xf32, #tpu.memory_space<vmem>>, vector<256x129xf32>
      tpu.vector_store %arg6[%swap3A_34, %swap3A_35], %broadcast_in_dim3A_33 {strides = array<i32>} : memref<256x129xf32, #tpu.memory_space<vmem>>, vector<256x129xf32>,
    } else {
    }
    %get3A = arith.constant 0 : index
    %get3A_2 = arith.constant 0 : index
    %get3A_3 = vector.load %arg1[%get3A, %get3A_2] : memref<1000x1xi32, #tpu.memory_space<vmem>>, vector<1000x1xi32>
    %iota3A = tpu.iota {dimensions = array<i32: 1>} : vector<1x256xi32>
    %eq3A_4 = vector.broadcast %get3A_3 : vector<1000x1xi32> to vector<1000x256xi32>
    %eq3A_5 = vector.broadcast %iota3A : vector<1x256xi32> to vector<1000x256xi32>
    %eq3A_6 = arith.cmpi eq, %eq3A_4, %eq3A_5 : vector<1000x256xi32>
    %get3A_7 = arith.constant 0 : index
    %get3A_8 = arith.constant 0 : index
    %get3A_9 = vector.load %arg4[%get3A_7, %get3A_8] : memref<1x256xf32, #tpu.memory_space<vmem>>, vector<1x256xf32>
    %jit3A = arith.constant 0xFF800000 : f32
    %broadcast_in_dim3A = vector.shape_cast %get3A_9 : vector<1x256xf32> to vector<1x256xf32>
    %broadcast_in_dim3A_10 = vector.broadcast %broadcast_in_dim3A : vector<1x256xf32> to vector<1000x256xf32>
    %broadcast_in_dim3A_11 = vector.broadcast %jit3A : f32 to vector<1000x256xf32>
    %select_n3A = arith.select %eq3A_6, %broadcast_in_dim3A_10, %broadcast_in_dim3A_11 : vector<1000x256xi1>, vector<1000x256xf32>
    %reduce_max3A = arith.constant dense<0xFF800000> : vector<1000xf32>
    %reduce_max3A_12 = vector.multi_reduction <maximumf>, %select_n3A, %reduce_max3A [1] : vector<1000x256xf32> to vector<1000xf32>
    %broadcast_in_dim3A_13 = vector.shape_cast %reduce_max3A_12 : vector<1000xf32> to vector<1000x1xf32>
    %get3A_14 = arith.constant 0 : index
    %get3A_15 = arith.constant 0 : index
    %get3A_16 = vector.load %arg2[%get3A_14, %get3A_15] : memref<1000x1xf32, #tpu.memory_space<vmem>>, vector<1000x1xf32>
    %sub3A = arith.subf %get3A_16, %broadcast_in_dim3A_13 : vector<1000x1xf32>
    %exp3A = math.exp %sub3A : vector<1000x1xf32>
    %swap3A = arith.constant 0 : index
    %swap3A_17 = arith.constant 0 : index
    %swap3A_18 = vector.load %arg5[%swap3A, %swap3A_17] : memref<1000x1xf32, #tpu.memory_space<vmem>>, vector<1000x1xf32>
    tpu.vector_store %arg5[%swap3A, %swap3A_17], %exp3A {strides = array<i32>} : memref<1000x1xf32, #tpu.memory_space<vmem>>, vector<1000x1xf32>,
    %convert_element_type3A_19 = arith.extui %eq3A_6 : vector<1000x256xi1> to vector<1000x256xi32>
    %convert_element_type3A_20 = arith.sitofp %convert_element_type3A_19 : vector<1000x256xi32> to vector<1000x256xf32>
    %get3A_21 = arith.constant 0 : index
    %get3A_22 = arith.constant 0 : index
    %get3A_23 = vector.load %arg3[%get3A_21, %get3A_22] : memref<1000x128xf32, #tpu.memory_space<vmem>>, vector<1000x128xf32>
    %mul3A = vector.broadcast %exp3A : vector<1000x1xf32> to vector<1000x128xf32>
    %mul3A_24 = arith.mulf %mul3A, %get3A_23 : vector<1000x128xf32>
    %concatenate3A = tpu.concatenate %mul3A_24, %exp3A in 1 : vector<1000x128xf32>, vector<1000x1xf32> -> vector<1000x129xf32>
    %get3A_25 = arith.constant 0 : index
    %get3A_26 = arith.constant 0 : index
    %get3A_27 = vector.load %arg6[%get3A_25, %get3A_26] : memref<256x129xf32, #tpu.memory_space<vmem>>, vector<256x129xf32>
    %dot_general3A = arith.constant dense<0.000000e+00> : vector<256x129xf32>
    %dot_general3A_28 = tpu.matmul %convert_element_type3A_20, %concatenate3A, %dot_general3A {dimension_numbers = #tpu.dot_dimension_numbers<[0], [0], [1], [1], [0, 1, 1, 1], [], []>, transpose_lhs_hint = false} : vector<1000x256xf32>, vector<1000x129xf32>, vector<256x129xf32> -> vector<256x129xf32>
    %add3A = arith.addf %get3A_27, %dot_general3A_28 : vector<256x129xf32>
    %swap3A_29 = arith.constant 0 : index
    %swap3A_30 = arith.constant 0 : index
    %swap3A_31 = vector.load %arg6[%swap3A_29, %swap3A_30] : memref<256x129xf32, #tpu.memory_space<vmem>>, vector<256x129xf32>
    tpu.vector_store %arg6[%swap3A_29, %swap3A_30], %add3A {strides = array<i32>} : memref<256x129xf32, #tpu.memory_space<vmem>>, vector<256x129xf32>,
    return
  }
  func.func @transform_0(%arg0: i32) -> (i32, i32) {
    %c0_i32 = arith.constant 0 : i32
    %c0_i32_0 = arith.constant 0 : i32
    return %arg0, %c0_i32 : i32, i32
  }
  func.func @transform_1(%arg0: i32) -> (i32, i32) {
    %c0_i32 = arith.constant 0 : i32
    %c0_i32_0 = arith.constant 0 : i32
    return %arg0, %c0_i32 : i32, i32
  }
  func.func @transform_2(%arg0: i32) -> (i32, i32) {
    %c0_i32 = arith.constant 0 : i32
    %c0_i32_0 = arith.constant 0 : i32
    return %arg0, %c0_i32 : i32, i32
  }
  func.func @transform_3(%arg0: i32) -> (i32, i32) {
    %c0_i32 = arith.constant 0 : i32
    %c0_i32_0 = arith.constant 0 : i32
    %c0_i32_1 = arith.constant 0 : i32
    return %c0_i32, %c0_i32_0 : i32, i32
  }
  func.func @transform_4(%arg0: i32) -> (i32, i32) {
    %c0_i32 = arith.constant 0 : i32
    %c0_i32_0 = arith.constant 0 : i32
    return %arg0, %c0_i32 : i32, i32
  }
  func.func @transform_5(%arg0: i32) -> (i32, i32) {
    %c0_i32 = arith.constant 0 : i32
    %c0_i32_0 = arith.constant 0 : i32
    %c0_i32_1 = arith.constant 0 : i32
    return %c0_i32, %c0_i32_0 : i32, i32
  }
}

</mosaic_0001>

<sc_bundles>
// kernel: kernel.7.cloned.1.call-start
scs
__scs_entry_jumppad:
0x0: {  	(pc) =	sbr.rel $0x88, $3  }
0x1: {  	(tag) =	ssettag $0x0;
	lr =	simm.s32 $0x1  }
0x2: {  	[smem:$0x3F8A] =	sst lr;
	_ =	strace $0xD0000000  }
0x3: {  	_ = 	snop  }
0x4: {  	_ = 	snop  }
0x5: {  	_ = 	snop  }
0x6: {  	_ = 	snop  }
0x7: {  	_ = 	snop  }
__scs_overlays_trampoline_lowered:
0x8: {  	[smem:$0x3F99] =	sst s0  }
0x9: {  	[smem:$0x3F9A] =	sst s1  }
0xa: {  	[smem:$0x3F9B] =	sst s2  }
0xb: {  	[smem:$0x3F9C] =	sst s3  }
0xc: {  	[smem:$0x3F9D] =	sst s4  }
0xd: {  	[smem:$0x3F9E] =	sst s5  }
0xe: {  	[smem:$0x3F9F] =	sst s6  }
0xf: {  	[smem:$0x3FA0] =	sst s7  }
0x10: {  	[smem:$0x3FA1] =	sst s8  }
0x11: {  	[smem:$0x3FA2] =	sst s9;
	s0 =	simm.s32 @!p0 $0x0  }
0x12: {  	s1 =	sld [smem:$0x3F88];
	s0 =	simm.s32 @p0 $0x1  }
0x13: {  	[smem:$0x3FA3] =	sst s0;
	s0 =	simm.s32 @!p1 $0x0  }
0x14: {  	s2 =	sld [smem:$0x3F87];
	s0 =	simm.s32 @p1 $0x1  }
0x15: {  	[smem:$0x3FA4] =	sst s0;
	s0 =	simm.s32 @!p2 $0x0  }
0x16: {  	s3 =	sld [smem:$0x3FDB];
	s0 =	simm.s32 @p2 $0x1  }
0x17: {  	s4 =	simm.s32 $0x1BF5;
	[smem:$0x3FA6] =	sst s0  }
0x18: {  	s0 =	sld [smem:$0x3F89];
	_ =	swait.ge [sflag:s4], $0x0  }
0x19: {  	s7 =	sld [smem:$0x3F8A]  }
0x1a: {  	s8 =	sadd.s32 $0xFFFFE003, lr  }
0x1b: {  	s9 =	sadd.s32 $0xFFFFFEF7, lr;
	s5 =	simm.s32 $0xFFFFFFFF;
	p2 =	slt.u32 s8, $0xFFFFF086  }
0x1c: {  	p1 =	slt.u32 s9, $0xF7A;
	s5 =	simm.s32 @!p2 $0x0  }
0x1d: {  	s5 =	simm.s32 @p1 $0x1;
	p0 =	seq.s32 s7, s2  }
0x1e: {  	s7 =	smul.u32 @!p0 $0xF7A, s2;
	p2 =	seq.s32 @!p0 s5, $0x0  }
0x1f: {  	s9 =	smul.u32 $0xF7A, s1;
	s8 =	simm.s32 @!p0 $0x1BF5;
	p2 =	por !p2, p0  }
0x20: {  	[sflag:s8] =	ssyncset.s32 @!p0 $0xFFFFF086;
	s6 =	sadd.s32 @!p0 s3, s7;
	s7 =	simm.s32 @!p0 $0x108  }
0x21: {  	s3 =	sadd.s32 s3, s9;
	s6 =	sadd.s32 @!p0 $0x88, s6;
	s7 =	simm.s32 @p2 $0x1082  }
0x22: {  	[simem:s7], [sflag:s8] =	dma.local @!p0 [hbm:s6], $0xF7A  }
0x23: {  	s9 =	sor.u32 $0xD0000000, s2;
	s6 =	simm.s32 $0x108;
	_ =	swait.ge @!p0 [sflag:s8], $0x0  }
0x24: {  	s3 =	sadd.s32 $0x88, s3;
	s6 =	simm.s32 @!p1 $0x1082;
	[sflag:s4] =	ssyncset.s32 $0xFFFFF086  }
0x25: {  	[simem:s6], [sflag:s4] =	dma.local [hbm:s3], $0xF7A  }
0x26: {  	[smem:$0x3F8A] =	sst s1;
	(tag) =	ssettag s2;
	_ =	strace s9  }
0x27: {  	s1 =	sld [smem:$0x3F9A]  }
0x28: {  	s2 =	sld [smem:$0x3F9B]  }
0x29: {  	s4 =	sld [smem:$0x3F9D]  }
0x2a: {  	p0 =	seq.s32 s5, $0x0;
	s5 =	sld [smem:$0x3F9E]  }
0x2b: {  	s6 =	sld [smem:$0x3F9F]  }
0x2c: {  	s7 =	sld [smem:$0x3FA0]  }
0x2d: {  	s3 =	simm.s32 $0x108;
	s8 =	sld [smem:$0x3FA1]  }
0x2e: {  	s3 =	simm.s32 @!p0 $0x1082;
	s9 =	sld [smem:$0x3FA2]  }
0x2f: {  	lr =	sadd.s32 s0, s3;
	s0 =	sld [smem:$0x3F99]  }
0x30: {  	s3 =	sld [smem:$0x3F9C]  }
0x31: {  	[smem:$0x3FA5] =	sst s10  }
0x32: {  	s10 =	sld [smem:$0x3FA3];
	_ =	sdelay $0x3  }
0x33: {  	p0 =	seq.s32 s10, $0x1;
	s10 =	sld [smem:$0x3FA5];
	_ =	sdelay $0x3  }
0x34: {  	[smem:$0x3FA5] =	sst s10  }
0x35: {  	s10 =	sld [smem:$0x3FA4];
	_ =	sdelay $0x3  }
0x36: {  	p1 =	seq.s32 s10, $0x1;
	s10 =	sld [smem:$0x3FA5];
	_ =	sdelay $0x3  }
0x37: {  	[smem:$0x3FA5] =	sst s10  }
0x38: {  	s10 =	sld [smem:$0x3FA6]  }
0x39: {  	_ = 	snop;
	(pc) =	sbr.ind lr, $3  }
0x3a: {  	_ = 	snop  }
0x3b: {  	_ = 	snop  }
0x3c: {  	p2 =	seq.s32 s10, $0x1;
	s10 =	sld [smem:$0x3FA5]  }
0x3d: {  	_ =	shalt  }
0x3e: {  	_ =	shalt  }
0x3f: {  	_ =	shalt  }
0x40: {  	_ =	shalt  }
0x41: {  	_ =	shalt  }
0x42: {  	_ =	shalt  }
0x43: {  	_ =	shalt  }
0x44: {  	_ =	shalt  }
0x45: {  	_ =	shalt  }
0x46: {  	_ =	shalt  }
0x47: {  	_ =	shalt  }
0x48: {  	_ =	shalt  }
0x49: {  	_ =	shalt  }
0x4a: {  	_ =	shalt  }
0x4b: {  	_ =	shalt  }
0x4c: {  	_ =	shalt  }
0x4d: {  	_ =	shalt  }
0x4e: {  	_ =	shalt  }
0x4f: {  	_ =	shalt  }
0x50: {  	_ =	shalt  }
0x51: {  	_ =	shalt  }
0x52: {  	_ =	shalt  }
0x53: {  	_ =	shalt  }
0x54: {  	_ =	shalt  }
0x55: {  	_ =	shalt  }
0x56: {  	_ =	shalt  }
0x57: {  	_ =	shalt  }
0x58: {  	_ =	shalt  }
0x59: {  	_ =	shalt  }
0x5a: {  	_ =	shalt  }
0x5b: {  	_ =	shalt  }
0x5c: {  	_ =	shalt  }
0x5d: {  	_ =	shalt  }
0x5e: {  	_ =	shalt  }
0x5f: {  	_ =	shalt  }
0x60: {  	_ =	shalt  }
0x61: {  	_ =	shalt  }
0x62: {  	_ =	shalt  }
0x63: {  	_ =	shalt  }
0x64: {  	_ =	shalt  }
0x65: {  	_ =	shalt  }
0x66: {  	_ =	shalt  }
0x67: {  	_ =	shalt  }
0x68: {  	_ =	shalt  }
0x69: {  	_ =	shalt  }
0x6a: {  	_ =	shalt  }
0x6b: {  	_ =	shalt  }
0x6c: {  	_ =	shalt  }
0x6d: {  	_ =	shalt  }
0x6e: {  	_ =	shalt  }
0x6f: {  	_ =	shalt  }
0x70: {  	_ =	shalt  }
0x71: {  	_ =	shalt  }
0x72: {  	_ =	shalt  }
0x73: {  	_ =	shalt  }
0x74: {  	_ =	shalt  }
0x75: {  	_ =	shalt  }
0x76: {  	_ =	shalt  }
0x77: {  	_ =	shalt  }
0x78: {  	_ =	shalt  }
0x79: {  	_ =	shalt  }
0x7a: {  	_ =	shalt  }
0x7b: {  	_ =	shalt  }
0x7c: {  	_ =	shalt  }
0x7d: {  	_ =	shalt  }
0x7e: {  	_ =	shalt  }
0x7f: {  	_ =	shalt  }
0x80: {  	_ =	shalt  }
0x81: {  	_ =	shalt  }
0x82: {  	_ =	shalt  }
0x83: {  	_ =	shalt  }
0x84: {  	_ =	shalt  }
0x85: {  	_ =	shalt  }
0x86: {  	_ =	shalt  }
0x87: {  	_ =	shalt  }
.Lfunc_end0:
.L_simem_size_0:
called_computation_lowered:
.L_overlay_start_0:
0x88: {  	s2 =	sld [smem:$0x3FD9]  }
0x89: {  	s3 =	sld [smem:$0x3FFE];
	_ =	sdelay $0x1  }
0x8a: {  	s1 =	srdreg.scid  }
0x8b: {  	s0 =	sand.u32 $0x1, s1  }
0x8c: {  	s16 =	sshll.u32 s0, $0xA;
	s2 =	sadd.s32 s3, s2  }
0x8d: {  	s2 =	sadd.s32 s2, s16  }
0x8e: {  	[smem:$0x3FB1] =	sst s2  }
0x8f: {  	_ = 	snop  }
0x90: {  	(tm) =	ssettm $0x1  }
0x91: {  	s17 =	sld [smem:$0x3FFB];
	_ =	sdelay $0x3  }
0x92: {  	_ =	strace s17  }
0x93: {  	s2 =	sld [smem:$0x3FFC];
	_ =	sdelay $0x3  }
0x94: {  	_ =	strace s2  }
0x95: {  	s2 =	sld [smem:$0x3FFD];
	_ =	sdelay $0x3  }
0x96: {  	_ =	strace s2  }
0x97: {  	_ =	strace $0x8FFFFFFF  }
0x98: {  	s18 =	sld [smem:$0x3FDB];
	_ =	sdelay $0x1  }
0x99: {  	s19 =	simm.s32 $_scs_section_size  }
0x9a: {  	s4 =	simm.s32 $_size__tile_overlayer_lowered;
	s5 =	simm.s32 $_tile_overlayer_lowered  }
0x9b: {  	s22 =	simm.s32 $0x1BFF;
	s21 =	sshll.u32 s5, $0x1;
	s2 =	sadd.s32 s19, s18  }
0x9c: {  	s6 =	simm.s32 $0x0;
	s20 =	sshll.u32 s4, $0x1;
	s4 =	sadd.s32 s21, s2  }
0x9d: {  	[timem:s6], [sflag:s22] =	dma.local [hbm:s4], s20  }
0x9e: {  	_ =	swait.ge [sflag:s22], s20  }
0x9f: {  	s3 =	ssub.s32 $0x0, s20;
	[sflag:s22] =	ssyncset.done $0x0  }
0xa0: {  	[sflag:s22] =	ssyncadd.s32 s3;
	_ =	sdelay $0x1  }
0xa1: {  	s23 =	simm.s32 $0x1B8B  }
0xa2: {  	_ =	swait.ge [sflag:s23], $0x1  }
0xa3: {  	[sflag:s23] =	ssyncset.done $0x0  }
0xa4: {  	s25 =	simm.s32 $0x1B8E;
	s24 =	sld [smem:$0x3FFE];
	[sflag:s23] =	ssyncadd.s32 $0xFFFFFFFF  }
0xa5: {  	s26 =	simm.s32 $execute0_lowered;
	[smem:$0x3FD2] =	sst s25  }
0xa6: {  	s4 =	sshll.u32 s26, $0x1;
	_ =	strace $0x80000046;
	[dreg:$0x1] =	wrdreg $0xFFFFFFFF  }
0xa7: {  	s28 =	simm.s32 $_size_execute0_lowered;
	s2 =	sadd.s32 s2, s4;
	[dreg:$0x0] =	wrdreg $0x0  }
0xa8: {  	s4 =	sshll.u32 s28, $0x1;
	[dreg:$0x2] =	wrdreg s2  }
0xa9: {  	[dreg:$0x3] =	wrdreg s4  }
0xaa: {  	[dreg:$0x4] =	wrdreg $0xC0  }
0xab: {  	_ =	task [dreg:s6], $0x5FFFF  }
0xac: {  	[dreg:$0x1] =	wrdreg $0xFFFFFFFF  }
0xad: {  	[dreg:$0x0] =	wrdreg $0x60  }
0xae: {  	[dreg:$0x2] =	wrdreg s24  }
0xaf: {  	[dreg:$0x3] =	wrdreg $0x0  }
0xb0: {  	[dreg:$0x4] =	wrdreg $0x13C800  }
0xb1: {  	[dreg:$0x5] =	wrdreg $0x9  }
0xb2: {  	_ =	task.clear_ibuf [dreg:s6], $0x6FFFF;
	_ =	strace $0x90000046  }
0xb3: {  	s29 =	simm.s32 $0x9;
	_ =	strace $0x80000048  }
0xb4: {  	_ =	swait.ge [sflag:s29], $0x1  }
0xb5: {  	[sflag:s29] =	ssyncadd.s32 $0xFFFFFFFF  }
0xb6: {  	_ =	strace $0x90000048  }
0xb7: {  	_ =	sfence  }
0xb8: {  	s30 =	sld [smem:$0x0];
	_ =	sdelay $0x2  }
0xb9: {  	s31 =	sshll.u32 s1, $0xD;
	s1 =	sshrl.u32 s1, $0x2  }
0xba: {  	s3 =	sand.u32 $0x4000, s31;
	s1 =	sadd.s32 s1, s30  }
0xbb: {  	s0 =	sor.u32 s3, s0;
	s1 =	sshll.u32 s1, $0x11  }
0xbc: {  	s0 =	sor.u32 s1, s0  }
0xbd: {  	s0 =	sadd.s32 $0x8F2B, s0  }
0xbe: {  	[sflag:s0] =	ssyncadd.remote.s32 $0x1  }
0xbf: {  	_ =	sfence.sel $0xFFFF  }
0xc0: {  	[dreg:$0x0] =	wrdreg $0xFFFFFFFF;
	(pc) =	sbr.abs _section_cstart, $3  }
0xc1: {  	[dreg:$0x1] =	wrdreg $0xFFFFFFFF  }
0xc2: {  	_ =	task.clear_ibuf [dreg:s6], $0x2FFFF;
	_ =	strace $0x9FFFFFFF  }
0xc3: {  	(tm) =	ssettm $0x7FFFFFFF  }
tec
execute0_lowered:
.L_overlay_start_1:
0x0: {  	(tag) =	ssettag $0x1  }
0x1: {  	s0 =	rddreg [dreg:$0x0];
	s1 =	srdreg.scid  }
0x2: {  	s10 =	stileid.u32;
	s2 =	rddreg [dreg:$0x1]  }
0x3: {  	s3 =	rddreg [dreg:$0x2];
	s4 =	simm.s32 $0x0;
	s28 =	simm.s32 $0x13EF8  }
0x4: {  	s29 =	simm.s32 $0x13F78;
	s30 =	simm.s32 $0x50;
	s5 =	smul.u32 $0x4E20, s10  }
0x5: {  	s31 =	simm.s32 $0x1;
	s1 =	sand.u32 $0x1, s1;
	s7 =	smul.u32 $0x4E000, s10  }
0x6: {  	[smem:$0x7FF] =	sst s4;
	s18 =	smul.u32 $0x270, s10;
	s16 =	sshll.u32 s10, $0xA  }
0x7: {  	s15 =	sadd.s32 $0x138000, s2;
	p0 =	sne.s32 s10, $0xF;
	s6 =	smul.u32 $0x2710, s1  }
0x8: {  	_ =	strace $0x80000047;
	s9 =	ssub.s32 $0x2, s1;
	s17 =	sadd.s32 s16, s2  }
0x9: {  	s16 =	sadd.s32 $0x2700, s3;
	s19 =	sshrl.u32 s7, $0x2;
	s6 =	sadd.s32 s6, s5  }
0xa: {  	s20 =	sshrl.u32 s9, $0x1;
	s14 =	sadd.s32 s18, s3;
	s6 =	sshrl.u32 s6, $0x3  }
0xb: {  	s17 =	sadd.s32 $0x138800, s17;
	s8 =	sadd.s32 s6, s0;
	s6 =	sadd.s32 s19, s2  }
0xc: {  	s5 =	sadd.s32 $0x16E00, s0;
	s7 =	ssub.s32 s9, s20;
	s21 =	sadd.s32 $0x2800, s6  }
0xd: {  	s0 =	sadd.s32 $0x3E000, s0;
	s22 =	sadd.s32 $0x5000, s6;
	[dreg:$0x4] =	wrdreg s21  }
0xe: {  	s19 =	smul.u32 $0x2790, s1;
	s23 =	sadd.s32 $0x7800, s6;
	[dreg:$0x5] =	wrdreg s22  }
0xf: {  	s1 =	smul.u32 $0x13C800, s1;
	s24 =	sadd.s32 $0xA000, s6;
	[dreg:$0x6] =	wrdreg s23  }
0x10: {  	s25 =	sadd.s32 $0xC800, s6;
	s12 =	sadd.s32 $0xF000, s6;
	[dreg:$0x7] =	wrdreg s24  }
0x11: {  	s13 =	sadd.s32 $0x11800, s6;
	[dreg:$0x8] =	wrdreg s25;
	s20 =	sshrl.u32 s19, $0x3  }
0x12: {  	s18 =	sadd.s32 s18, s19;
	s1 =	sshrl.u32 s1, $0x3;
	s21 =	smax.u32 s7, $0x1  }
0x13: {  	s22 =	sadd.s32 $0x3200, s8;
	s23 =	sadd.s32 $0xD000, s8;
	s24 =	simm.s32 $0x13FF8  }
0x14: {  	s25 =	simm.s32 $0x2;
	s26 =	sadd.s32 s10, s20;
	s18 =	sshll.u32 s18, $0x4  }
0x15: {  	s1 =	sadd.s32 s0, s1;
	s20 =	sshll.u32 s26, $0x7;
	s18 =	sadd.s32 s0, s18  }
0x16: {  	s19 =	sadd.s32 $0x27000, s1;
	s26 =	simm.s32 $0x16878;
	s0 =	sadd.s32 s0, s20  }
0x17: {  	v0 =	vimm.f32 $0.0e+00;
	v1 =	vimm.f32 $1.000000000e+00;
	s1 =	simm.s32 $0x167F8;
	s20 =	sadd.s32 $0x27100, s0;
	s0 =	simm.s32 $0x0  }
.LBB2_1:
0x18: {  	s7 =	simm.s32 $0x0;
	s8 =	simm.s32 $0x200  }
.LBB2_2:
0x19: {  	p1 =	sne.s32 s8, $0x9E00;
	[tilespmem:s7+$0x14068] =	vst v0  }
0x1a: {  	[tilespmem:s7+$0x13FF8] =	vst v0  }
0x1b: {  	[tilespmem:s7+$0x14008] =	vst v0  }
.Ltmp0:
0x1c: {  	[tilespmem:s7+$0x14018] =	vst v0;
	(pc) =	sbr.rel @p1 .LBB2_2-.Ltmp0, $4  }
0x1d: {  	[tilespmem:s7+$0x14028] =	vst v0  }
0x1e: {  	[tilespmem:s7+$0x14038] =	vst v0  }
0x1f: {  	[tilespmem:s7+$0x14048] =	vst v0  }
0x20: {  	[tilespmem:s7+$0x14058] =	vst v0;
	s7 =	sshra.s32 s8, $0x2;
	s8 =	sadd.s32 $0x200, s8  }
0x21: {  	[tilespmem:s7+$0x14068] =	vst v0  }
0x22: {  	[tilespmem:s7+$0x13FF8] =	vst v0  }
0x23: {  	[tilespmem:s7+$0x14008] =	vst v0  }
0x24: {  	[tilespmem:s7+$0x14018] =	vst v0  }
0x25: {  	[tilespmem:s7+$0x14028] =	vst v0  }
0x26: {  	[tilespmem:s7+$0x14038] =	vst v0  }
0x27: {  	[tilespmem:s7+$0x14048] =	vst v0  }
0x28: {  	[tilespmem:s7+$0x14058] =	vst v0  }
0x29: {  	[tilespmem:$0x16878] =	vst v0  }
0x2a: {  	[tilespmem:$0x16888] =	vst v0  }
0x2b: {  	[tilespmem:$0x16898] =	vst v0  }
0x2c: {  	[tilespmem:$0x168A8] =	vst v0  }
0x2d: {  	[tilespmem:$0x168B8] =	vst v0  }
0x2e: {  	[tilespmem:$0x168C8] =	vst v0  }
0x2f: {  	[tilespmem:$0x168D8] =	vst v0  }
0x30: {  	[tilespmem:$0x168E8] =	vst v0  }
0x31: {  	[tilespmem:$0x168F8] =	vst v0  }
0x32: {  	[tilespmem:$0x16908] =	vst v0  }
0x33: {  	[tilespmem:$0x16918] =	vst v0  }
0x34: {  	[tilespmem:$0x16928] =	vst v0  }
0x35: {  	[tilespmem:$0x16938] =	vst v0  }
0x36: {  	[tilespmem:$0x16948] =	vst v0  }
0x37: {  	[tilespmem:$0x16958] =	vst v0  }
0x38: {  	[tilespmem:$0x16968] =	vst v0  }
0x39: {  	[tilespmem:$0x16978] =	vst v0  }
0x3a: {  	[tilespmem:$0x16988] =	vst v0  }
0x3b: {  	[tilespmem:$0x16998] =	vst v0  }
0x3c: {  	[tilespmem:$0x169A8] =	vst v0  }
0x3d: {  	[tilespmem:$0x169B8] =	vst v0  }
0x3e: {  	[tilespmem:$0x169C8] =	vst v0  }
0x3f: {  	[tilespmem:$0x169D8] =	vst v0  }
0x40: {  	[tilespmem:$0x169E8] =	vst v0  }
0x41: {  	[tilespmem:$0x169F8] =	vst v0  }
0x42: {  	[tilespmem:$0x16A08] =	vst v0  }
0x43: {  	[tilespmem:$0x16A18] =	vst v0  }
0x44: {  	[tilespmem:$0x16A28] =	vst v0  }
0x45: {  	[tilespmem:$0x16A38] =	vst v0  }
0x46: {  	[tilespmem:$0x16A48] =	vst v0  }
0x47: {  	[tilespmem:$0x16A58] =	vst v0  }
0x48: {  	[tilespmem:$0x16A68] =	vst v0  }
0x49: {  	[tilespmem:$0x16A78] =	vst v0  }
0x4a: {  	[tilespmem:$0x16A88] =	vst v0  }
0x4b: {  	[tilespmem:$0x16A98] =	vst v0  }
0x4c: {  	[tilespmem:$0x16AA8] =	vst v0  }
0x4d: {  	[tilespmem:$0x16AB8] =	vst v0  }
0x4e: {  	[tilespmem:$0x16AC8] =	vst v0  }
0x4f: {  	[tilespmem:$0x16AD8] =	vst v0  }
0x50: {  	[tilespmem:$0x16AE8] =	vst v0  }
0x51: {  	[tilespmem:$0x167F8] =	vst v1  }
0x52: {  	[tilespmem:$0x16808] =	vst v1  }
0x53: {  	[tilespmem:$0x16818] =	vst v1  }
0x54: {  	[tilespmem:$0x16828] =	vst v1  }
0x55: {  	[tilespmem:$0x16838] =	vst v1  }
0x56: {  	[spmem:s6] =	stream.linear.scatter [tilespmem:s24], [sflag:$0x2], $0x2800, $0x38;
	[tilespmem:$0x16EF8] =	vst v63  }
0x57: {  	_ =	swait.ge [sflag:s25], $0x2800  }
0x58: {  	[sflag:s25] =	ssyncset.done $0x0  }
0x59: {  	s9 =	rddreg [dreg:$0x4];
	[sflag:s25] =	ssyncadd.s32 $0xFFFFD800  }
0x5a: {  	[spmem:s9] =	stream.linear.scatter [tilespmem:s24], [sflag:$0x2], $0x2800, $0x38;
	[tilespmem:$0x16EF8] =	vst v63  }
0x5b: {  	_ =	swait.ge [sflag:s25], $0x2800  }
0x5c: {  	[sflag:s25] =	ssyncset.done $0x0  }
0x5d: {  	s10 =	rddreg [dreg:$0x5];
	[sflag:s25] =	ssyncadd.s32 $0xFFFFD800  }
0x5e: {  	[spmem:s10] =	stream.linear.scatter [tilespmem:s24], [sflag:$0x2], $0x2800, $0x38;
	[tilespmem:$0x16EF8] =	vst v63  }
0x5f: {  	_ =	swait.ge [sflag:s25], $0x2800  }
0x60: {  	[sflag:s25] =	ssyncset.done $0x0  }
0x61: {  	s11 =	rddreg [dreg:$0x6];
	[sflag:s25] =	ssyncadd.s32 $0xFFFFD800  }
0x62: {  	[spmem:s11] =	stream.linear.scatter [tilespmem:s24], [sflag:$0x2], $0x2800, $0x38;
	[tilespmem:$0x16EF8] =	vst v63  }
0x63: {  	_ =	swait.ge [sflag:s25], $0x2800  }
0x64: {  	[sflag:s25] =	ssyncset.done $0x0  }
0x65: {  	s8 =	rddreg [dreg:$0x7];
	[sflag:s25] =	ssyncadd.s32 $0xFFFFD800  }
0x66: {  	[spmem:s8] =	stream.linear.scatter [tilespmem:s24], [sflag:$0x2], $0x2800, $0x38;
	[tilespmem:$0x16EF8] =	vst v63  }
0x67: {  	_ =	swait.ge [sflag:s25], $0x2800  }
0x68: {  	[sflag:s25] =	ssyncset.done $0x0  }
0x69: {  	s9 =	rddreg [dreg:$0x8];
	[sflag:s25] =	ssyncadd.s32 $0xFFFFD800  }
0x6a: {  	[spmem:s9] =	stream.linear.scatter [tilespmem:s24], [sflag:$0x2], $0x2800, $0x38;
	[tilespmem:$0x16EF8] =	vst v63  }
0x6b: {  	_ =	swait.ge [sflag:s25], $0x2800  }
0x6c: {  	[sflag:s25] =	ssyncset.done $0x0  }
0x6d: {  	[sflag:s25] =	ssyncadd.s32 $0xFFFFD800  }
0x6e: {  	[spmem:s12] =	stream.linear.scatter [tilespmem:s24], [sflag:$0x2], $0x2800, $0x38;
	[tilespmem:$0x16EF8] =	vst v63  }
0x6f: {  	_ =	swait.ge [sflag:s25], $0x2800  }
0x70: {  	[sflag:s25] =	ssyncset.done $0x0  }
0x71: {  	[sflag:s25] =	ssyncadd.s32 $0xFFFFD800  }
0x72: {  	[spmem:s13] =	stream.linear.scatter [tilespmem:s24], [sflag:$0x2], $0x2000, $0x38;
	[tilespmem:$0x16EF8] =	vst v63  }
0x73: {  	_ =	swait.ge [sflag:s25], $0x2000  }
0x74: {  	[sflag:s25] =	ssyncset.done $0x0  }
0x75: {  	[sflag:s25] =	ssyncadd.s32 $0xFFFFE000  }
0x76: {  	[spmem:s14] =	stream.linear.scatter [tilespmem:s26], [sflag:$0x2], $0x270, $0x38;
	[tilespmem:$0x16EF8] =	vst v63  }
0x77: {  	_ =	swait.ge [sflag:s25], $0x270  }
0x78: {  	[sflag:s25] =	ssyncset.done $0x0  }
0x79: {  	s7 =	simm.s32 @!p0 $0x13FF8;
	[sflag:s25] =	ssyncadd.s32 $0xFFFFFD90  }
0x7a: {  	[spmem:s15] =	stream.linear.scatter @!p0 [tilespmem:s7], [sflag:$0x2], $0x800, $0x38;
	[tilespmem:$0x16EF8] =	vst v63  }
0x7b: {  	s7 =	simm.s32 @!p0 $0x2  }
0x7c: {  	_ =	swait.ge @!p0 [sflag:s7], $0x800  }
0x7d: {  	[sflag:s7] =	ssyncset.done @!p0 $0x0  }
0x7e: {  	s8 =	simm.s32 @!p0 $0x16878;
	[sflag:s7] =	ssyncadd.s32 @!p0 $0xFFFFF800  }
0x7f: {  	[spmem:s16] =	stream.linear.scatter @!p0 [tilespmem:s8], [sflag:$0x2], $0x10, $0x38;
	[tilespmem:$0x16EF8] =	vst v63  }
0x80: {  	_ =	swait.ge @!p0 [sflag:s7], $0x10  }
0x81: {  	[sflag:s7] =	ssyncset.done @!p0 $0x0  }
0x82: {  	[sflag:s7] =	ssyncadd.s32 @!p0 $0xFFFFFFF0  }
0x83: {  	s10 =	sadd.s32 $0x0, s23;
	[bflag:$0x0] =	sbarrier.arrive $0xFFFF  }
0x84: {  	[tilespmem:s28], [sflag:$0x2] =	stream.linear.gather [hbm4b:s10+s4], $0x50, $0x38;
	[tilespmem:$0x16EF8] =	vst v63  }
0x85: {  	_ =	swait.ge [sflag:s25], $0x50  }
0x86: {  	[sflag:s25] =	ssyncset.done $0x0  }
0x87: {  	s11 =	sadd.s32 $0x0, s22;
	[sflag:s25] =	ssyncadd.s32 $0xFFFFFFB0  }
0x88: {  	[tilespmem:s29], [sflag:$0x2] =	stream.linear.gather [hbm4b:s11+s4], $0x50, $0x38;
	[tilespmem:$0x16EF8] =	vst v63  }
0x89: {  	_ =	swait.ge [sflag:s25], $0x50  }
0x8a: {  	[sflag:s25] =	ssyncset.done $0x0  }
0x8b: {  	[sflag:s25] =	ssyncadd.s32 $0xFFFFFFB0  }
0x8c: {  	[tilespmem:s24], [sflag:$0x1] =	stream.indirect.gather [hbm4b:s5+s30], $0x80, s28, s30, $0xb8;
	[tilespmem:$0x16EF8] =	vst v63  }
0x8d: {  	_ =	swait.ge [sflag:s31], $0x2800  }
0x8e: {  	[sflag:s31] =	ssyncset.done $0x0  }
0x8f: {  	[sflag:s31] =	ssyncadd.s32 $0xFFFFD800  }
0x90: {  	[spmem:s2] =	stream.indirect.scatter.add.f32 [tilespmem:s24], [sflag:$0x2], $0x80, s29, s30, $0xb8;
	[tilespmem:$0x16EF8] =	vst v63  }
0x91: {  	_ =	swait.ge [sflag:s25], $0x2800  }
0x92: {  	[sflag:s25] =	ssyncset.done $0x0  }
0x93: {  	[sflag:s25] =	ssyncadd.s32 $0xFFFFD800  }
0x94: {  	[spmem:s3] =	stream.indirect.scatter.add.f32 [tilespmem:s1], [sflag:$0x2], $0x1, s29, s30, $0xb8;
	[tilespmem:$0x16EF8] =	vst v63  }
0x95: {  	_ =	swait.ge [sflag:s25], $0x50  }
0x96: {  	s8 =	simm.s32 $0x14;
	s7 =	simm.s32 $0xA;
	[sflag:s25] =	ssyncset.done $0x0  }
.LBB2_4:
0x97: {  	s9 =	sadd.s32 s7, s23  }
0x98: {  	[sflag:s25] =	ssyncadd.s32 $0xFFFFFFB0;
	s10 =	smov.u32 s8;
	s11 =	sadd.s32 $0xA, s8  }
0x99: {  	[tilespmem:s28], [sflag:$0x2] =	stream.linear.gather [hbm4b:s9+s4], $0x50, $0x38;
	[tilespmem:$0x16EF8] =	vst v63  }
0x9a: {  	p1 =	sne.s32 s8, $0x4D8;
	_ =	swait.ge [sflag:s25], $0x50  }
0x9b: {  	[sflag:s25] =	ssyncset.done $0x0  }
0x9c: {  	s8 =	sadd.s32 s7, s22;
	s7 =	smov.u32 s10;
	[sflag:s25] =	ssyncadd.s32 $0xFFFFFFB0  }
0x9d: {  	[tilespmem:s29], [sflag:$0x2] =	stream.linear.gather [hbm4b:s8+s4], $0x50, $0x38;
	[tilespmem:$0x16EF8] =	vst v63  }
0x9e: {  	_ =	swait.ge [sflag:s25], $0x50  }
0x9f: {  	[sflag:s25] =	ssyncset.done $0x0  }
0xa0: {  	[sflag:s25] =	ssyncadd.s32 $0xFFFFFFB0  }
0xa1: {  	[tilespmem:s24], [sflag:$0x1] =	stream.indirect.gather [hbm4b:s5+s30], $0x80, s28, s30, $0xb8;
	[tilespmem:$0x16EF8] =	vst v63  }
0xa2: {  	_ =	swait.ge [sflag:s31], $0x2800  }
0xa3: {  	[sflag:s31] =	ssyncset.done $0x0  }
0xa4: {  	[sflag:s31] =	ssyncadd.s32 $0xFFFFD800  }
0xa5: {  	[spmem:s2] =	stream.indirect.scatter.add.f32 [tilespmem:s24], [sflag:$0x2], $0x80, s29, s30, $0xb8;
	[tilespmem:$0x16EF8] =	vst v63  }
0xa6: {  	_ =	swait.ge [sflag:s25], $0x2800  }
.Ltmp1:
0xa7: {  	[sflag:s25] =	ssyncset.done $0x0;
	(pc) =	sbr.rel @p1 .LBB2_4-.Ltmp1, $4  }
0xa8: {  	[sflag:s25] =	ssyncadd.s32 $0xFFFFD800  }
0xa9: {  	[spmem:s3] =	stream.indirect.scatter.add.f32 [tilespmem:s1], [sflag:$0x2], $0x1, s29, s30, $0xb8;
	[tilespmem:$0x16EF8] =	vst v63  }
0xaa: {  	_ =	swait.ge [sflag:s25], $0x50  }
0xab: {  	s8 =	smov.u32 s11;
	[sflag:s25] =	ssyncset.done $0x0  }
0xac: {  	s8 =	sadd.s32 s7, s23;
	[sflag:s25] =	ssyncadd.s32 $0xFFFFFFB0  }
0xad: {  	[tilespmem:s28], [sflag:$0x2] =	stream.linear.gather [hbm4b:s8+s4], $0x50, $0x38;
	[tilespmem:$0x16EF8] =	vst v63  }
0xae: {  	_ =	swait.ge [sflag:s25], $0x50  }
0xaf: {  	[sflag:s25] =	ssyncset.done $0x0  }
0xb0: {  	s8 =	sadd.s32 s7, s22;
	[sflag:s25] =	ssyncadd.s32 $0xFFFFFFB0  }
0xb1: {  	[tilespmem:s29], [sflag:$0x2] =	stream.linear.gather [hbm4b:s8+s4], $0x50, $0x38;
	[tilespmem:$0x16EF8] =	vst v63  }
0xb2: {  	_ =	swait.ge [sflag:s25], $0x50  }
0xb3: {  	[sflag:s25] =	ssyncset.done $0x0  }
0xb4: {  	[sflag:s25] =	ssyncadd.s32 $0xFFFFFFB0  }
0xb5: {  	[tilespmem:s24], [sflag:$0x1] =	stream.indirect.gather [hbm4b:s5+s30], $0x80, s28, s30, $0xb8;
	[tilespmem:$0x16EF8] =	vst v63  }
0xb6: {  	_ =	swait.ge [sflag:s31], $0x2800  }
0xb7: {  	[sflag:s31] =	ssyncset.done $0x0  }
0xb8: {  	[sflag:s31] =	ssyncadd.s32 $0xFFFFD800  }
0xb9: {  	[spmem:s2] =	stream.indirect.scatter.add.f32 [tilespmem:s24], [sflag:$0x2], $0x80, s29, s30, $0xb8;
	[tilespmem:$0x16EF8] =	vst v63  }
0xba: {  	_ =	swait.ge [sflag:s25], $0x2800  }
0xbb: {  	[sflag:s25] =	ssyncset.done $0x0  }
0xbc: {  	[sflag:s25] =	ssyncadd.s32 $0xFFFFD800  }
0xbd: {  	[spmem:s3] =	stream.indirect.scatter.add.f32 [tilespmem:s1], [sflag:$0x2], $0x1, s29, s30, $0xb8;
	[tilespmem:$0x16EF8] =	vst v63  }
0xbe: {  	_ =	swait.ge [sflag:s25], $0x50  }
0xbf: {  	[sflag:s25] =	ssyncset.done $0x0  }
0xc0: {  	[sflag:s25] =	ssyncadd.s32 $0xFFFFFFB0  }
0xc1: {  	[bflag:$0x0] =	sbarrier.arrive $0xFFFF  }
0xc2: {  	[tilespmem:s26], [sflag:$0x2] =	stream.linear.gather [spmem:s14], $0x270, $0x38;
	[tilespmem:$0x16EF8] =	vst v63  }
0xc3: {  	_ =	swait.ge [sflag:s25], $0x270  }
0xc4: {  	[sflag:s25] =	ssyncset.done $0x0  }
0xc5: {  	s7 =	simm.s32 @!p0 $0x16AE8;
	[sflag:s25] =	ssyncadd.s32 $0xFFFFFD90  }
0xc6: {  	[tilespmem:s7], [sflag:$0x2] =	stream.linear.gather @!p0 [spmem:s16], $0x10, $0x38;
	[tilespmem:$0x16EF8] =	vst v63  }
0xc7: {  	s7 =	simm.s32 @!p0 $0x2  }
0xc8: {  	_ =	swait.ge @!p0 [sflag:s7], $0x10  }
0xc9: {  	[sflag:s7] =	ssyncset.done @!p0 $0x0  }
0xca: {  	[sflag:s7] =	ssyncadd.s32 @!p0 $0xFFFFFFF0  }
0xcb: {  	v2 =	vld [tilespmem:$0x16878]  }
0xcc: {  	v3 =	vld [tilespmem:$0x16888]  }
0xcd: {  	v4 =	vld [tilespmem:$0x16898]  }
0xce: {  	v5 =	vld [tilespmem:$0x168A8]  }
0xcf: {  	v6 =	vld [tilespmem:$0x168B8]  }
0xd0: {  	v43 =	vld [tilespmem:$0x168E8];
	[tilespmem:$0x16AF8] =	vst v2  }
0xd1: {  	v44 =	vld [tilespmem:$0x168F8];
	[tilespmem:$0x16B08] =	vst v3  }
0xd2: {  	v45 =	vld [tilespmem:$0x16908];
	[tilespmem:$0x16B18] =	vst v4  }
0xd3: {  	v2 =	vld [tilespmem:$0x168C8];
	[tilespmem:$0x16B28] =	vst v5  }
0xd4: {  	v3 =	vld [tilespmem:$0x168D8];
	[tilespmem:$0x16B38] =	vst v6  }
0xd5: {  	v46 =	vld [tilespmem:$0x16938];
	[tilespmem:$0x16B68] =	vst v43  }
0xd6: {  	v47 =	vld [tilespmem:$0x16948];
	[tilespmem:$0x16B78] =	vst v44  }
0xd7: {  	v48 =	vld [tilespmem:$0x16958];
	[tilespmem:$0x16B88] =	vst v45  }
0xd8: {  	[tilespmem:$0x16B48] =	vst v2;
	v2 =	vld [tilespmem:$0x16918]  }
0xd9: {  	[tilespmem:$0x16B58] =	vst v3;
	v3 =	vld [tilespmem:$0x16928]  }
0xda: {  	v49 =	vld [tilespmem:$0x16988];
	[tilespmem:$0x16BB8] =	vst v46  }
0xdb: {  	v50 =	vld [tilespmem:$0x16998];
	[tilespmem:$0x16BC8] =	vst v47  }
0xdc: {  	v51 =	vld [tilespmem:$0x169A8];
	[tilespmem:$0x16BD8] =	vst v48  }
0xdd: {  	[tilespmem:$0x16B98] =	vst v2;
	v2 =	vld [tilespmem:$0x16968]  }
0xde: {  	[tilespmem:$0x16BA8] =	vst v3;
	v3 =	vld [tilespmem:$0x16978]  }
0xdf: {  	v52 =	vld [tilespmem:$0x169D8];
	[tilespmem:$0x16C08] =	vst v49  }
0xe0: {  	v53 =	vld [tilespmem:$0x169E8];
	[tilespmem:$0x16C18] =	vst v50  }
0xe1: {  	v54 =	vld [tilespmem:$0x169F8];
	[tilespmem:$0x16C28] =	vst v51  }
0xe2: {  	[tilespmem:$0x16BE8] =	vst v2;
	v2 =	vld [tilespmem:$0x169B8]  }
0xe3: {  	[tilespmem:$0x16BF8] =	vst v3;
	v3 =	vld [tilespmem:$0x169C8]  }
0xe4: {  	v55 =	vld [tilespmem:$0x16A28];
	[tilespmem:$0x16C58] =	vst v52  }
0xe5: {  	v56 =	vld [tilespmem:$0x16A38];
	[tilespmem:$0x16C68] =	vst v53  }
0xe6: {  	v57 =	vld [tilespmem:$0x16A48];
	[tilespmem:$0x16C78] =	vst v54  }
0xe7: {  	[tilespmem:$0x16C38] =	vst v2;
	v2 =	vld [tilespmem:$0x16A08]  }
0xe8: {  	[tilespmem:$0x16C48] =	vst v3;
	v3 =	vld [tilespmem:$0x16A18]  }
0xe9: {  	v58 =	vld [tilespmem:$0x16A78];
	[tilespmem:$0x16CA8] =	vst v55  }
0xea: {  	v59 =	vld [tilespmem:$0x16A88];
	[tilespmem:$0x16CB8] =	vst v56  }
0xeb: {  	v60 =	vld [tilespmem:$0x16A98];
	[tilespmem:$0x16CC8] =	vst v57  }
0xec: {  	[tilespmem:$0x16C88] =	vst v2;
	v2 =	vld [tilespmem:$0x16A58]  }
0xed: {  	[tilespmem:$0x16C98] =	vst v3;
	v3 =	vld [tilespmem:$0x16A68]  }
0xee: {  	v61 =	vld [tilespmem:$0x16AC8];
	[tilespmem:$0x16CF8] =	vst v58  }
0xef: {  	v62 =	vld [tilespmem:$0x16AD8];
	[tilespmem:$0x16D08] =	vst v59  }
0xf0: {  	v63 =	vld [tilespmem:$0x16AE8];
	[tilespmem:$0x16D18] =	vst v60  }
0xf1: {  	[tilespmem:$0x16CD8] =	vst v2;
	v2 =	vld [tilespmem:$0x16AA8]  }
0xf2: {  	[tilespmem:$0x16CE8] =	vst v3;
	v3 =	vld [tilespmem:$0x16AB8]  }
0xf3: {  	[tilespmem:$0x16D48] =	vst v61  }
0xf4: {  	[tilespmem:$0x16D58] =	vst v62  }
0xf5: {  	[tilespmem:$0x16D68] =	vst v63  }
0xf6: {  	[tilespmem:$0x16D28] =	vst v2  }
0xf7: {  	s9 =	simm.s32 $0x16AF8;
	[tilespmem:$0x16D38] =	vst v3  }
0xf8: {  	[spmem:s17] =	stream.linear.scatter [tilespmem:s9], [sflag:$0x2], $0x400, $0x38;
	[tilespmem:$0x16EF8] =	vst v63  }
0xf9: {  	s10 =	stileid.u32;
	_ =	swait.ge [sflag:s25], $0x400  }
0xfa: {  	s8 =	sshll.u32 s10, $0x6;
	[sflag:s25] =	ssyncset.done $0x0  }
0xfb: {  	s8 =	sor.u32 $0x1C02, s8;
	s9 =	sshrl.u32 s6, $0x3;
	[sflag:s25] =	ssyncadd.s32 $0xFFFFFC00  }
0xfc: {  	[hbm:s18], [sflag:s8] =	dma.local [spmem:s9], $0x2700  }
0xfd: {  	_ =	swait.ge [sflag:s25], $0x2700  }
0xfe: {  	[sflag:s25] =	ssyncset.done $0x0  }
0xff: {  	s9 =	sshrl.u32 @!p0 s15, $0x3;
	[sflag:s25] =	ssyncadd.s32 $0xFFFFD900  }
0x100: {  	[hbm:s19], [sflag:s8] =	dma.local @!p0 [spmem:s9], $0x100  }
0x101: {  	s0 =	sadd.s32 $0x1, s0;
	_ =	swait.ge @!p0 [sflag:s7], $0x100  }
0x102: {  	p1 =	sne.s32 s0, s21;
	[sflag:s7] =	ssyncset.done @!p0 $0x0  }
.Ltmp2:
0x103: {  	s11 =	sshrl.u32 s17, $0x3;
	[sflag:s7] =	ssyncadd.s32 @!p0 $0xFFFFFF00;
	(pc) =	sbr.rel @p1 .LBB2_1-.Ltmp2, $4  }
0x104: {  	[hbm:s20], [sflag:s8] =	dma.local [spmem:s11], $0x80  }
0x105: {  	_ =	swait.ge [sflag:s25], $0x80  }
0x106: {  	[sflag:s25] =	ssyncset.done $0x0  }
0x107: {  	[sflag:s25] =	ssyncadd.s32 $0xFFFFFF80  }
0x108: {  	_ =	sfence.sel $0x180000  }
0x109: {  	[bflag:$0x0] =	sbarrier.arrive $0xFFFF  }
0x10a: {  	_ =	strace $0x90000047  }
0x10b: {  	s0 =	stileid.u32;
	[bflag:$0x2] =	sbarrier.arrive $0xFFFF  }
0x10c: {  	p0 =	sne.s32 s0, $0x0;
	s0 =	rddreg [dreg:$0x3]  }
0x10d: {  	s0 =	sadd.s32 @!p0 $0x100000, s0  }
0x10e: {  	[sflag:s0] =	ssyncadd.tile.s32 @!p0 $0x1;
	_ =	shalt  }
.Lfunc_end2:
_tile_overlayer_lowered:
.L_overlay_start_2:
0x10f: {  	(tag) =	ssettag $0x2  }
0x110: {  	s0 =	rddreg [dreg:$0x0];
	s2 =	stileid.u32  }
0x111: {  	s1 =	rddreg [dreg:$0x1];
	p0 =	sne.s32 s2, $0x0  }
0x112: {  	s3 =	rddreg [dreg:$0x2];
	[bflag:$0x3] =	sbarrier.arrive $0xFFFF;
	s2 =	simm.s32 @!p0 $0x1C02  }
0x113: {  	[timem:s3], [sflag:s2] =	dma.local @!p0 [hbm:s0], s1  }
0x114: {  	s0 =	simm.s32 @!p0 $0x2  }
0x115: {  	_ =	swait.ge @!p0 [sflag:s0], s1  }
0x116: {  	s1 =	ssub.s32 @!p0 $0x0, s1;
	[sflag:s0] =	ssyncset.done @!p0 $0x0  }
0x117: {  	[sflag:s0] =	ssyncadd.s32 @!p0 s1  }
0x118: {  	[bflag:$0x3] =	sbarrier.arrive $0xFFFF  }
0x119: {  	_ =	shalt  }

</sc_bundles>
